<compile_context>
chip_gen: v7x
topology: tpu7x:2x2x1
jax: 0.10.2.dev20260603
libtpu: 0.0.44.dev20260713+nightly
codegen_flags: <defaults>
</compile_context>

<pallas_src>
import functools

import jax
import jax.numpy as jnp
from jax import lax
from jax.experimental import pallas as pl
from jax.experimental.pallas import tpu as pltpu
from jax.experimental.pallas import tpu_sc as plsc

B, S = 4096, 50
DIM_ITEM, DIM_CATE, DIM_SHOP = 64, 32, 32
DIM_ALL = DIM_ITEM + DIM_CATE + DIM_SHOP
NW = 32
B_PER_W = B // NW
NBUF = 4

_COL0 = (0, DIM_ITEM, DIM_ITEM + DIM_CATE)
_DIMS = (DIM_ITEM, DIM_CATE, DIM_SHOP)

VOCAB_ITEM = 1000000
_WT_BLK = 2048


def _w_expand_body(i_ref, o_ref):
    o_ref[:, : DIM_ITEM] = jnp.transpose(i_ref[...], (1, 0))


_W_EXPAND = pl.pallas_call(
    _w_expand_body,
    grid=((VOCAB_ITEM + _WT_BLK - 1) // _WT_BLK,),
    in_specs=[pl.BlockSpec((DIM_ITEM, _WT_BLK), lambda g: (0, g))],
    out_specs=pl.BlockSpec((_WT_BLK, 2 * DIM_ITEM), lambda g: (g, 0)),
    out_shape=jax.ShapeDtypeStruct((VOCAB_ITEM, 2 * DIM_ITEM), jnp.float32),
)


def _make_sc_gather():
    mesh = plsc.VectorSubcoreMesh(core_axis_name="c", subcore_axis_name="s")

    buf_set = [
        pltpu.VMEM((B_PER_W, 2 * DIM_ITEM), jnp.float32),
        pltpu.VMEM((B_PER_W, DIM_CATE), jnp.float32),
        pltpu.VMEM((B_PER_W, DIM_SHOP), jnp.float32),
    ]

    @functools.partial(
        pl.kernel,
        out_type=jax.ShapeDtypeStruct((S, B, DIM_ALL), jnp.float32),
        mesh=mesh,
        compiler_params=pltpu.CompilerParams(use_tc_tiling_on_sc=False),
        scratch_types=[
            pltpu.VMEM((S, B_PER_W), jnp.int32),
            pltpu.VMEM((S, B_PER_W), jnp.int32),
            pltpu.VMEM((S, B_PER_W), jnp.int32),
        ]
        + buf_set * NBUF
        + [pltpu.SemaphoreType.DMA] * (2 * NBUF),
    )
    def gather_kernel(
        item_idx_hbm, cate_idx_hbm, shop_idx_hbm,
        w_item_hbm, w_cate_hbm, w_shop_hbm,
        out_hbm,
        idxt_i_v, idxt_c_v, idxt_s_v,
        *bufs_and_sems,
    ):
        bufs = [bufs_and_sems[3 * i:3 * i + 3] for i in range(NBUF)]
        gsems = bufs_and_sems[3 * NBUF:3 * NBUF + NBUF]
        wsems = bufs_and_sems[3 * NBUF + NBUF:]
        idxt = (idxt_i_v, idxt_c_v, idxt_s_v)
        idx_hbm = (item_idx_hbm, cate_idx_hbm, shop_idx_hbm)
        tables = (w_item_hbm, w_cate_hbm, w_shop_hbm)

        wid = lax.axis_index("s") * 2 + lax.axis_index("c")
        brow0 = wid * B_PER_W

        for t in range(3):
            pltpu.sync_copy(idx_hbm[t].at[:, pl.ds(brow0, B_PER_W)], idxt[t])

        def gather_descs(s, bset, sem):
            return [
                (tables[t].at[idxt[t].at[s]], bset[t], sem)
                for t in range(3)
            ]

        def write_descs(s, bset, sem):
            return [
                (bset[t].at[:, pl.ds(0, _DIMS[t])] if t == 0 else bset[t],
                 out_hbm.at[s, pl.ds(brow0, B_PER_W),
                            pl.ds(_COL0[t], _DIMS[t])],
                 sem)
                for t in range(3)
            ]

        def fire(descs):
            for src, dst, sem in descs:
                pltpu.async_copy(src, dst, sem)

        def drain(descs):
            for src, dst, sem in descs:
                pltpu.make_async_copy(src, dst, sem).wait()

        for i in range(NBUF):
            fire(gather_descs(i, bufs[i], gsems[i]))

        def step(k, carry):
            for i in range(NBUF):
                s = NBUF * k + i
                drain(gather_descs(s, bufs[i], gsems[i]))
                fire(write_descs(s, bufs[i], wsems[i]))
                drain(write_descs(s, bufs[i], wsems[i]))
                fire(gather_descs(s + NBUF, bufs[i], gsems[i]))
            return carry

        lax.fori_loop(0, S // NBUF - 1, step, 0)

        done = (S // NBUF - 1) * NBUF
        for s in range(done, S):
            i = s % NBUF
            drain(gather_descs(s, bufs[i], gsems[i]))
            fire(write_descs(s, bufs[i], wsems[i]))
            drain(write_descs(s, bufs[i], wsems[i]))
            nxt = s + NBUF
            if nxt < S:
                fire(gather_descs(nxt, bufs[nxt % NBUF], gsems[nxt % NBUF]))

    return gather_kernel


_SC_GATHER = _make_sc_gather()


@jax.jit
def kernel(item_id, cate_id, shop_id, W_item, W_cate, W_shop):
    def prep(x):
        if x.dtype != jnp.int32:
            x = x.astype(jnp.int32)
        return jnp.transpose(x, (1, 0))

    w_item_wide = _W_EXPAND(jnp.transpose(W_item, (1, 0)))
    y = _SC_GATHER(
        prep(item_id), prep(cate_id), prep(shop_id),
        w_item_wide, W_cate, W_shop,
    )
    return jnp.transpose(y, (1, 0, 2))

# --- scband reference (transcript-rebuilt; emitter-appended) ---
"""Pipeline reference for scband-embedding-manager-60327110639902 (READ-ONLY COPY).

The authoritative reference and input builder live on the scoring server;
editing this copy changes nothing except your own understanding.
"""

import jax, jax.numpy as jnp
import numpy as np

B, S = 4096, 50
VOCAB_ITEM, DIM_ITEM = 1000000, 64
VOCAB_CATE, DIM_CATE = 100000, 32
VOCAB_SHOP, DIM_SHOP = 100000, 32


def setup_inputs(seed: int = 0) -> dict:
    key = jax.random.key(seed)
    k1, k2, k3, k4, k5, k6 = jax.random.split(key, 6)
    item_id = jax.random.randint(k1, (B, S), 0, VOCAB_ITEM)
    cate_id = jax.random.randint(k2, (B, S), 0, VOCAB_CATE)
    shop_id = jax.random.randint(k3, (B, S), 0, VOCAB_SHOP)
    # Learned embedding tables (padding_idx=0 -> row 0 is zeros, like nn.Embedding)
    W_item = jax.random.normal(k4, (VOCAB_ITEM, DIM_ITEM), dtype=jnp.float32)
    W_item = W_item.at[0].set(0.0)
    W_cate = jax.random.normal(k5, (VOCAB_CATE, DIM_CATE), dtype=jnp.float32)
    W_cate = W_cate.at[0].set(0.0)
    W_shop = jax.random.normal(k6, (VOCAB_SHOP, DIM_SHOP), dtype=jnp.float32)
    W_shop = W_shop.at[0].set(0.0)
    return {
        "item_id": item_id,
        "cate_id": cate_id,
        "shop_id": shop_id,
        "W_item": W_item,
        "W_cate": W_cate,
        "W_shop": W_shop,
    }


def _embed(W, idx):
    # nn.Embedding(..., padding_idx=0): row 0 is zero and contributes no gradient.
    e = jnp.take(W, idx, axis=0)
    mask = (idx != 0)[..., None].astype(e.dtype)
    return e * mask


def reference(item_id, cate_id, shop_id, W_item, W_cate, W_shop):
    # EmbeddingManager.forward with learned_labels = {item_id, cate_id, shop_id},
    # no precomputed embeddings; lookups concatenated along last dim.
    all_embeddings = [
        _embed(W_item, item_id),
        _embed(W_cate, cate_id),
        _embed(W_shop, shop_id),
    ]
    return jnp.concatenate(all_embeddings, axis=-1)

if __name__ == "__main__":
    import jax
    _d = setup_inputs()
    print(jax.jit(kernel)(*tuple(_d.values())))

</pallas_src>

<mosaic_0001>
#map = affine_map<(d0, d1) -> (0, 0)>
#map1 = affine_map<(d0, d1) -> (0, 0, 0)>
module attributes {stable_mosaic.version = 14 : i64} {
  func.func @gather_kernel(%arg0: i32, %arg1: i32, %arg2: memref<50x4096xi32, #tpu.memory_space<hbm>>, %arg3: memref<50x4096xi32, #tpu.memory_space<hbm>>, %arg4: memref<50x4096xi32, #tpu.memory_space<hbm>>, %arg5: memref<1000000x128xf32, #tpu.memory_space<hbm>>, %arg6: memref<100000x32xf32, #tpu.memory_space<hbm>>, %arg7: memref<100000x32xf32, #tpu.memory_space<hbm>>, %arg8: memref<50x4096x128xf32, #tpu.memory_space<hbm>>, %arg9: memref<50x128xi32, #tpu.memory_space<vmem>>, %arg10: memref<50x128xi32, #tpu.memory_space<vmem>>, %arg11: memref<50x128xi32, #tpu.memory_space<vmem>>, %arg12: memref<128x128xf32, #tpu.memory_space<vmem>>, %arg13: memref<128x32xf32, #tpu.memory_space<vmem>>, %arg14: memref<128x32xf32, #tpu.memory_space<vmem>>, %arg15: memref<128x128xf32, #tpu.memory_space<vmem>>, %arg16: memref<128x32xf32, #tpu.memory_space<vmem>>, %arg17: memref<128x32xf32, #tpu.memory_space<vmem>>, %arg18: memref<128x128xf32, #tpu.memory_space<vmem>>, %arg19: memref<128x32xf32, #tpu.memory_space<vmem>>, %arg20: memref<128x32xf32, #tpu.memory_space<vmem>>, %arg21: memref<128x128xf32, #tpu.memory_space<vmem>>, %arg22: memref<128x32xf32, #tpu.memory_space<vmem>>, %arg23: memref<128x32xf32, #tpu.memory_space<vmem>>, %arg24: memref<!tpu.dma_semaphore, #tpu.memory_space<semaphore_mem>>, %arg25: memref<!tpu.dma_semaphore, #tpu.memory_space<semaphore_mem>>, %arg26: memref<!tpu.dma_semaphore, #tpu.memory_space<semaphore_mem>>, %arg27: memref<!tpu.dma_semaphore, #tpu.memory_space<semaphore_mem>>, %arg28: memref<!tpu.dma_semaphore, #tpu.memory_space<semaphore_mem>>, %arg29: memref<!tpu.dma_semaphore, #tpu.memory_space<semaphore_mem>>, %arg30: memref<!tpu.dma_semaphore, #tpu.memory_space<semaphore_mem>>, %arg31: memref<!tpu.dma_semaphore, #tpu.memory_space<semaphore_mem>>) attributes {dimension_semantics = [#tpu.dimension_semantics<core_parallel>, #tpu.dimension_semantics<subcore_parallel>], iteration_bounds = array<i64: 2, 16>, scalar_prefetch = 0 : i64, scratch_operands = 23 : i64, tpu.core_type = #tpu.core_type<sc_vector_subcore>, window_params = [{transform_indices = #map}, {transform_indices = #map}, {transform_indices = #map}, {transform_indices = #map}, {transform_indices = #map}, {transform_indices = #map}, {transform_indices = #map1}]} {
    %mul3A = arith.constant 2 : i32
    %mul3A_0 = arith.muli %arg1, %mul3A : i32
    %add3A = arith.addi %mul3A_0, %arg0 : i32
    %mul3A_1 = arith.constant 128 : i32
    %mul3A_2 = arith.muli %add3A, %mul3A_1 : i32
    "tpu.region"() ({
      %run_scoped3A = tpu.sem_alloc : memref<!tpu.dma_semaphore, #tpu.memory_space<semaphore_mem>>
      %dma_start3A_582 = arith.constant 0 : i32
      %dma_start3A_583 = tpu.memref_slice %arg2[%dma_start3A_582, %mul3A_2] : memref<50x4096xi32, #tpu.memory_space<hbm>> -> memref<50x128xi32, #tpu.memory_space<hbm>>
      %dma_start3A_584 = arith.constant 0 : i32
      %dma_start3A_585 = tpu.memref_slice %arg2[%dma_start3A_584, %mul3A_2] : memref<50x4096xi32, #tpu.memory_space<hbm>> -> memref<50x128xi32, #tpu.memory_space<hbm>>
      tpu.enqueue_dma source(%dma_start3A_585 : memref<50x128xi32, #tpu.memory_space<hbm>>) target(%arg9 : memref<50x128xi32, #tpu.memory_space<vmem>>) target_semaphore(%run_scoped3A : memref<!tpu.dma_semaphore, #tpu.memory_space<semaphore_mem>>)
      %dma_wait3A_586 = arith.constant 0 : i32
      %dma_wait3A_587 = tpu.memref_slice %arg2[%dma_wait3A_586, %mul3A_2] : memref<50x4096xi32, #tpu.memory_space<hbm>> -> memref<50x128xi32, #tpu.memory_space<hbm>>
      %dma_wait3A_588 = arith.constant 0 : i32
      %dma_wait3A_589 = tpu.memref_slice %arg2[%dma_wait3A_588, %mul3A_2] : memref<50x4096xi32, #tpu.memory_space<hbm>> -> memref<50x128xi32, #tpu.memory_space<hbm>>
      tpu.wait_dma2 semaphore(%run_scoped3A : memref<!tpu.dma_semaphore, #tpu.memory_space<semaphore_mem>>) src(%dma_wait3A_589 : memref<50x128xi32, #tpu.memory_space<hbm>>) dst(%arg9 : memref<50x128xi32, #tpu.memory_space<vmem>>)
      tpu.yield
    }) : () -> ()
    "tpu.region"() ({
      %run_scoped3A = tpu.sem_alloc : memref<!tpu.dma_semaphore, #tpu.memory_space<semaphore_mem>>
      %dma_start3A_582 = arith.constant 0 : i32
      %dma_start3A_583 = tpu.memref_slice %arg3[%dma_start3A_582, %mul3A_2] : memref<50x4096xi32, #tpu.memory_space<hbm>> -> memref<50x128xi32, #tpu.memory_space<hbm>>
      %dma_start3A_584 = arith.constant 0 : i32
      %dma_start3A_585 = tpu.memref_slice %arg3[%dma_start3A_584, %mul3A_2] : memref<50x4096xi32, #tpu.memory_space<hbm>> -> memref<50x128xi32, #tpu.memory_space<hbm>>
      tpu.enqueue_dma source(%dma_start3A_585 : memref<50x128xi32, #tpu.memory_space<hbm>>) target(%arg10 : memref<50x128xi32, #tpu.memory_space<vmem>>) target_semaphore(%run_scoped3A : memref<!tpu.dma_semaphore, #tpu.memory_space<semaphore_mem>>)
      %dma_wait3A_586 = arith.constant 0 : i32
      %dma_wait3A_587 = tpu.memref_slice %arg3[%dma_wait3A_586, %mul3A_2] : memref<50x4096xi32, #tpu.memory_space<hbm>> -> memref<50x128xi32, #tpu.memory_space<hbm>>
      %dma_wait3A_588 = arith.constant 0 : i32
      %dma_wait3A_589 = tpu.memref_slice %arg3[%dma_wait3A_588, %mul3A_2] : memref<50x4096xi32, #tpu.memory_space<hbm>> -> memref<50x128xi32, #tpu.memory_space<hbm>>
      tpu.wait_dma2 semaphore(%run_scoped3A : memref<!tpu.dma_semaphore, #tpu.memory_space<semaphore_mem>>) src(%dma_wait3A_589 : memref<50x128xi32, #tpu.memory_space<hbm>>) dst(%arg10 : memref<50x128xi32, #tpu.memory_space<vmem>>)
      tpu.yield
    }) : () -> ()
    "tpu.region"() ({
      %run_scoped3A = tpu.sem_alloc : memref<!tpu.dma_semaphore, #tpu.memory_space<semaphore_mem>>
      %dma_start3A_582 = arith.constant 0 : i32
      %dma_start3A_583 = tpu.memref_slice %arg4[%dma_start3A_582, %mul3A_2] : memref<50x4096xi32, #tpu.memory_space<hbm>> -> memref<50x128xi32, #tpu.memory_space<hbm>>
      %dma_start3A_584 = arith.constant 0 : i32
      %dma_start3A_585 = tpu.memref_slice %arg4[%dma_start3A_584, %mul3A_2] : memref<50x4096xi32, #tpu.memory_space<hbm>> -> memref<50x128xi32, #tpu.memory_space<hbm>>
      tpu.enqueue_dma source(%dma_start3A_585 : memref<50x128xi32, #tpu.memory_space<hbm>>) target(%arg11 : memref<50x128xi32, #tpu.memory_space<vmem>>) target_semaphore(%run_scoped3A : memref<!tpu.dma_semaphore, #tpu.memory_space<semaphore_mem>>)
      %dma_wait3A_586 = arith.constant 0 : i32
      %dma_wait3A_587 = tpu.memref_slice %arg4[%dma_wait3A_586, %mul3A_2] : memref<50x4096xi32, #tpu.memory_space<hbm>> -> memref<50x128xi32, #tpu.memory_space<hbm>>
      %dma_wait3A_588 = arith.constant 0 : i32
      %dma_wait3A_589 = tpu.memref_slice %arg4[%dma_wait3A_588, %mul3A_2] : memref<50x4096xi32, #tpu.memory_space<hbm>> -> memref<50x128xi32, #tpu.memory_space<hbm>>
      tpu.wait_dma2 semaphore(%run_scoped3A : memref<!tpu.dma_semaphore, #tpu.memory_space<semaphore_mem>>) src(%dma_wait3A_589 : memref<50x128xi32, #tpu.memory_space<hbm>>) dst(%arg11 : memref<50x128xi32, #tpu.memory_space<vmem>>)
      tpu.yield
    }) : () -> ()
    %dma_start3A = arith.constant 0 : i32
    %dma_start3A_3 = arith.constant 0 : i32
    %dma_start3A_4 = tpu.memref_slice %arg9[%dma_start3A, %dma_start3A_3] : memref<50x128xi32, #tpu.memory_space<vmem>> -> memref<1x128xi32, #tpu.memory_space<vmem>>
    %dma_start3A_5 = tpu.memref_squeeze %dma_start3A_4 : memref<1x128xi32, #tpu.memory_space<vmem>> -> memref<128xi32, #tpu.memory_space<vmem>>
    %dma_start3A_6 = arith.constant 0 : i32
    %dma_start3A_7 = arith.constant 0 : i32
    %dma_start3A_8 = tpu.memref_slice %arg5[%dma_start3A_6, %dma_start3A_7] : memref<1000000x128xf32, #tpu.memory_space<hbm>> -> memref<1000000x128xf32, #tpu.memory_space<hbm>>
    tpu.enqueue_indirect_dma source(%dma_start3A_8 : memref<1000000x128xf32, #tpu.memory_space<hbm>>) target(%arg12 : memref<128x128xf32, #tpu.memory_space<vmem>>) offsets(%dma_start3A_5 : memref<128xi32, #tpu.memory_space<vmem>>) semaphore(%arg24 : memref<!tpu.dma_semaphore, #tpu.memory_space<semaphore_mem>>)
    %dma_start3A_9 = arith.constant 0 : i32
    %dma_start3A_10 = arith.constant 0 : i32
    %dma_start3A_11 = tpu.memref_slice %arg10[%dma_start3A_9, %dma_start3A_10] : memref<50x128xi32, #tpu.memory_space<vmem>> -> memref<1x128xi32, #tpu.memory_space<vmem>>
    %dma_start3A_12 = tpu.memref_squeeze %dma_start3A_11 : memref<1x128xi32, #tpu.memory_space<vmem>> -> memref<128xi32, #tpu.memory_space<vmem>>
    %dma_start3A_13 = arith.constant 0 : i32
    %dma_start3A_14 = arith.constant 0 : i32
    %dma_start3A_15 = tpu.memref_slice %arg6[%dma_start3A_13, %dma_start3A_14] : memref<100000x32xf32, #tpu.memory_space<hbm>> -> memref<100000x32xf32, #tpu.memory_space<hbm>>
    tpu.enqueue_indirect_dma source(%dma_start3A_15 : memref<100000x32xf32, #tpu.memory_space<hbm>>) target(%arg13 : memref<128x32xf32, #tpu.memory_space<vmem>>) offsets(%dma_start3A_12 : memref<128xi32, #tpu.memory_space<vmem>>) semaphore(%arg24 : memref<!tpu.dma_semaphore, #tpu.memory_space<semaphore_mem>>)
    %dma_start3A_16 = arith.constant 0 : i32
    %dma_start3A_17 = arith.constant 0 : i32
    %dma_start3A_18 = tpu.memref_slice %arg11[%dma_start3A_16, %dma_start3A_17] : memref<50x128xi32, #tpu.memory_space<vmem>> -> memref<1x128xi32, #tpu.memory_space<vmem>>
    %dma_start3A_19 = tpu.memref_squeeze %dma_start3A_18 : memref<1x128xi32, #tpu.memory_space<vmem>> -> memref<128xi32, #tpu.memory_space<vmem>>
    %dma_start3A_20 = arith.constant 0 : i32
    %dma_start3A_21 = arith.constant 0 : i32
    %dma_start3A_22 = tpu.memref_slice %arg7[%dma_start3A_20, %dma_start3A_21] : memref<100000x32xf32, #tpu.memory_space<hbm>> -> memref<100000x32xf32, #tpu.memory_space<hbm>>
    tpu.enqueue_indirect_dma source(%dma_start3A_22 : memref<100000x32xf32, #tpu.memory_space<hbm>>) target(%arg14 : memref<128x32xf32, #tpu.memory_space<vmem>>) offsets(%dma_start3A_19 : memref<128xi32, #tpu.memory_space<vmem>>) semaphore(%arg24 : memref<!tpu.dma_semaphore, #tpu.memory_space<semaphore_mem>>)
    %dma_start3A_23 = arith.constant 1 : i32
    %dma_start3A_24 = arith.constant 0 : i32
    %dma_start3A_25 = tpu.memref_slice %arg9[%dma_start3A_23, %dma_start3A_24] : memref<50x128xi32, #tpu.memory_space<vmem>> -> memref<1x128xi32, #tpu.memory_space<vmem>>
    %dma_start3A_26 = tpu.memref_squeeze %dma_start3A_25 : memref<1x128xi32, #tpu.memory_space<vmem>> -> memref<128xi32, #tpu.memory_space<vmem>>
    %dma_start3A_27 = arith.constant 0 : i32
    %dma_start3A_28 = arith.constant 0 : i32
    %dma_start3A_29 = tpu.memref_slice %arg5[%dma_start3A_27, %dma_start3A_28] : memref<1000000x128xf32, #tpu.memory_space<hbm>> -> memref<1000000x128xf32, #tpu.memory_space<hbm>>
    tpu.enqueue_indirect_dma source(%dma_start3A_29 : memref<1000000x128xf32, #tpu.memory_space<hbm>>) target(%arg15 : memref<128x128xf32, #tpu.memory_space<vmem>>) offsets(%dma_start3A_26 : memref<128xi32, #tpu.memory_space<vmem>>) semaphore(%arg25 : memref<!tpu.dma_semaphore, #tpu.memory_space<semaphore_mem>>)
    %dma_start3A_30 = arith.constant 1 : i32
    %dma_start3A_31 = arith.constant 0 : i32
    %dma_start3A_32 = tpu.memref_slice %arg10[%dma_start3A_30, %dma_start3A_31] : memref<50x128xi32, #tpu.memory_space<vmem>> -> memref<1x128xi32, #tpu.memory_space<vmem>>
    %dma_start3A_33 = tpu.memref_squeeze %dma_start3A_32 : memref<1x128xi32, #tpu.memory_space<vmem>> -> memref<128xi32, #tpu.memory_space<vmem>>
    %dma_start3A_34 = arith.constant 0 : i32
    %dma_start3A_35 = arith.constant 0 : i32
    %dma_start3A_36 = tpu.memref_slice %arg6[%dma_start3A_34, %dma_start3A_35] : memref<100000x32xf32, #tpu.memory_space<hbm>> -> memref<100000x32xf32, #tpu.memory_space<hbm>>
    tpu.enqueue_indirect_dma source(%dma_start3A_36 : memref<100000x32xf32, #tpu.memory_space<hbm>>) target(%arg16 : memref<128x32xf32, #tpu.memory_space<vmem>>) offsets(%dma_start3A_33 : memref<128xi32, #tpu.memory_space<vmem>>) semaphore(%arg25 : memref<!tpu.dma_semaphore, #tpu.memory_space<semaphore_mem>>)
    %dma_start3A_37 = arith.constant 1 : i32
    %dma_start3A_38 = arith.constant 0 : i32
    %dma_start3A_39 = tpu.memref_slice %arg11[%dma_start3A_37, %dma_start3A_38] : memref<50x128xi32, #tpu.memory_space<vmem>> -> memref<1x128xi32, #tpu.memory_space<vmem>>
    %dma_start3A_40 = tpu.memref_squeeze %dma_start3A_39 : memref<1x128xi32, #tpu.memory_space<vmem>> -> memref<128xi32, #tpu.memory_space<vmem>>
    %dma_start3A_41 = arith.constant 0 : i32
    %dma_start3A_42 = arith.constant 0 : i32
    %dma_start3A_43 = tpu.memref_slice %arg7[%dma_start3A_41, %dma_start3A_42] : memref<100000x32xf32, #tpu.memory_space<hbm>> -> memref<100000x32xf32, #tpu.memory_space<hbm>>
    tpu.enqueue_indirect_dma source(%dma_start3A_43 : memref<100000x32xf32, #tpu.memory_space<hbm>>) target(%arg17 : memref<128x32xf32, #tpu.memory_space<vmem>>) offsets(%dma_start3A_40 : memref<128xi32, #tpu.memory_space<vmem>>) semaphore(%arg25 : memref<!tpu.dma_semaphore, #tpu.memory_space<semaphore_mem>>)
    %dma_start3A_44 = arith.constant 2 : i32
    %dma_start3A_45 = arith.constant 0 : i32
    %dma_start3A_46 = tpu.memref_slice %arg9[%dma_start3A_44, %dma_start3A_45] : memref<50x128xi32, #tpu.memory_space<vmem>> -> memref<1x128xi32, #tpu.memory_space<vmem>>
    %dma_start3A_47 = tpu.memref_squeeze %dma_start3A_46 : memref<1x128xi32, #tpu.memory_space<vmem>> -> memref<128xi32, #tpu.memory_space<vmem>>
    %dma_start3A_48 = arith.constant 0 : i32
    %dma_start3A_49 = arith.constant 0 : i32
    %dma_start3A_50 = tpu.memref_slice %arg5[%dma_start3A_48, %dma_start3A_49] : memref<1000000x128xf32, #tpu.memory_space<hbm>> -> memref<1000000x128xf32, #tpu.memory_space<hbm>>
    tpu.enqueue_indirect_dma source(%dma_start3A_50 : memref<1000000x128xf32, #tpu.memory_space<hbm>>) target(%arg18 : memref<128x128xf32, #tpu.memory_space<vmem>>) offsets(%dma_start3A_47 : memref<128xi32, #tpu.memory_space<vmem>>) semaphore(%arg26 : memref<!tpu.dma_semaphore, #tpu.memory_space<semaphore_mem>>)
    %dma_start3A_51 = arith.constant 2 : i32
    %dma_start3A_52 = arith.constant 0 : i32
    %dma_start3A_53 = tpu.memref_slice %arg10[%dma_start3A_51, %dma_start3A_52] : memref<50x128xi32, #tpu.memory_space<vmem>> -> memref<1x128xi32, #tpu.memory_space<vmem>>
    %dma_start3A_54 = tpu.memref_squeeze %dma_start3A_53 : memref<1x128xi32, #tpu.memory_space<vmem>> -> memref<128xi32, #tpu.memory_space<vmem>>
    %dma_start3A_55 = arith.constant 0 : i32
    %dma_start3A_56 = arith.constant 0 : i32
    %dma_start3A_57 = tpu.memref_slice %arg6[%dma_start3A_55, %dma_start3A_56] : memref<100000x32xf32, #tpu.memory_space<hbm>> -> memref<100000x32xf32, #tpu.memory_space<hbm>>
    tpu.enqueue_indirect_dma source(%dma_start3A_57 : memref<100000x32xf32, #tpu.memory_space<hbm>>) target(%arg19 : memref<128x32xf32, #tpu.memory_space<vmem>>) offsets(%dma_start3A_54 : memref<128xi32, #tpu.memory_space<vmem>>) semaphore(%arg26 : memref<!tpu.dma_semaphore, #tpu.memory_space<semaphore_mem>>)
    %dma_start3A_58 = arith.constant 2 : i32
    %dma_start3A_59 = arith.constant 0 : i32
    %dma_start3A_60 = tpu.memref_slice %arg11[%dma_start3A_58, %dma_start3A_59] : memref<50x128xi32, #tpu.memory_space<vmem>> -> memref<1x128xi32, #tpu.memory_space<vmem>>
    %dma_start3A_61 = tpu.memref_squeeze %dma_start3A_60 : memref<1x128xi32, #tpu.memory_space<vmem>> -> memref<128xi32, #tpu.memory_space<vmem>>
    %dma_start3A_62 = arith.constant 0 : i32
    %dma_start3A_63 = arith.constant 0 : i32
    %dma_start3A_64 = tpu.memref_slice %arg7[%dma_start3A_62, %dma_start3A_63] : memref<100000x32xf32, #tpu.memory_space<hbm>> -> memref<100000x32xf32, #tpu.memory_space<hbm>>
    tpu.enqueue_indirect_dma source(%dma_start3A_64 : memref<100000x32xf32, #tpu.memory_space<hbm>>) target(%arg20 : memref<128x32xf32, #tpu.memory_space<vmem>>) offsets(%dma_start3A_61 : memref<128xi32, #tpu.memory_space<vmem>>) semaphore(%arg26 : memref<!tpu.dma_semaphore, #tpu.memory_space<semaphore_mem>>)
    %dma_start3A_65 = arith.constant 3 : i32
    %dma_start3A_66 = arith.constant 0 : i32
    %dma_start3A_67 = tpu.memref_slice %arg9[%dma_start3A_65, %dma_start3A_66] : memref<50x128xi32, #tpu.memory_space<vmem>> -> memref<1x128xi32, #tpu.memory_space<vmem>>
    %dma_start3A_68 = tpu.memref_squeeze %dma_start3A_67 : memref<1x128xi32, #tpu.memory_space<vmem>> -> memref<128xi32, #tpu.memory_space<vmem>>
    %dma_start3A_69 = arith.constant 0 : i32
    %dma_start3A_70 = arith.constant 0 : i32
    %dma_start3A_71 = tpu.memref_slice %arg5[%dma_start3A_69, %dma_start3A_70] : memref<1000000x128xf32, #tpu.memory_space<hbm>> -> memref<1000000x128xf32, #tpu.memory_space<hbm>>
    tpu.enqueue_indirect_dma source(%dma_start3A_71 : memref<1000000x128xf32, #tpu.memory_space<hbm>>) target(%arg21 : memref<128x128xf32, #tpu.memory_space<vmem>>) offsets(%dma_start3A_68 : memref<128xi32, #tpu.memory_space<vmem>>) semaphore(%arg27 : memref<!tpu.dma_semaphore, #tpu.memory_space<semaphore_mem>>)
    %dma_start3A_72 = arith.constant 3 : i32
    %dma_start3A_73 = arith.constant 0 : i32
    %dma_start3A_74 = tpu.memref_slice %arg10[%dma_start3A_72, %dma_start3A_73] : memref<50x128xi32, #tpu.memory_space<vmem>> -> memref<1x128xi32, #tpu.memory_space<vmem>>
    %dma_start3A_75 = tpu.memref_squeeze %dma_start3A_74 : memref<1x128xi32, #tpu.memory_space<vmem>> -> memref<128xi32, #tpu.memory_space<vmem>>
    %dma_start3A_76 = arith.constant 0 : i32
    %dma_start3A_77 = arith.constant 0 : i32
    %dma_start3A_78 = tpu.memref_slice %arg6[%dma_start3A_76, %dma_start3A_77] : memref<100000x32xf32, #tpu.memory_space<hbm>> -> memref<100000x32xf32, #tpu.memory_space<hbm>>
    tpu.enqueue_indirect_dma source(%dma_start3A_78 : memref<100000x32xf32, #tpu.memory_space<hbm>>) target(%arg22 : memref<128x32xf32, #tpu.memory_space<vmem>>) offsets(%dma_start3A_75 : memref<128xi32, #tpu.memory_space<vmem>>) semaphore(%arg27 : memref<!tpu.dma_semaphore, #tpu.memory_space<semaphore_mem>>)
    %dma_start3A_79 = arith.constant 3 : i32
    %dma_start3A_80 = arith.constant 0 : i32
    %dma_start3A_81 = tpu.memref_slice %arg11[%dma_start3A_79, %dma_start3A_80] : memref<50x128xi32, #tpu.memory_space<vmem>> -> memref<1x128xi32, #tpu.memory_space<vmem>>
    %dma_start3A_82 = tpu.memref_squeeze %dma_start3A_81 : memref<1x128xi32, #tpu.memory_space<vmem>> -> memref<128xi32, #tpu.memory_space<vmem>>
    %dma_start3A_83 = arith.constant 0 : i32
    %dma_start3A_84 = arith.constant 0 : i32
    %dma_start3A_85 = tpu.memref_slice %arg7[%dma_start3A_83, %dma_start3A_84] : memref<100000x32xf32, #tpu.memory_space<hbm>> -> memref<100000x32xf32, #tpu.memory_space<hbm>>
    tpu.enqueue_indirect_dma source(%dma_start3A_85 : memref<100000x32xf32, #tpu.memory_space<hbm>>) target(%arg23 : memref<128x32xf32, #tpu.memory_space<vmem>>) offsets(%dma_start3A_82 : memref<128xi32, #tpu.memory_space<vmem>>) semaphore(%arg27 : memref<!tpu.dma_semaphore, #tpu.memory_space<semaphore_mem>>)
    %scan3A = arith.constant 0 : i32
    %scan3A_86 = arith.constant 0 : i32
    %scan3A_87 = arith.constant 11 : i32
    %scan3A_88 = arith.addi %scan3A_86, %scan3A_87 : i32
    %scan3A_89 = arith.constant 1 : i32
    scf.for %scan3A_582 = %scan3A_86 to %scan3A_88 step %scan3A_89  : i32 {
      %mul3A_583 = arith.constant 4 : i32
      %mul3A_584 = arith.muli %mul3A_583, %scan3A_582 : i32
      %add3A_585 = arith.constant 0 : i32
      %add3A_586 = arith.addi %mul3A_584, %add3A_585 : i32
      %dma_wait3A_587 = arith.constant 0 : i32
      %dma_wait3A_588 = tpu.memref_slice %arg9[%add3A_586, %dma_wait3A_587] : memref<50x128xi32, #tpu.memory_space<vmem>> -> memref<1x128xi32, #tpu.memory_space<vmem>>
      %dma_wait3A_589 = tpu.memref_squeeze %dma_wait3A_588 : memref<1x128xi32, #tpu.memory_space<vmem>> -> memref<128xi32, #tpu.memory_space<vmem>>
      %dma_wait3A_590 = arith.constant 0 : i32
      %dma_wait3A_591 = arith.constant 0 : i32
      %dma_wait3A_592 = tpu.memref_slice %arg5[%dma_wait3A_590, %dma_wait3A_591] : memref<1000000x128xf32, #tpu.memory_space<hbm>> -> memref<1000000x128xf32, #tpu.memory_space<hbm>>
      tpu.wait_indirect_dma semaphore(%arg24 : memref<!tpu.dma_semaphore, #tpu.memory_space<semaphore_mem>>) src(%dma_wait3A_592 : memref<1000000x128xf32, #tpu.memory_space<hbm>>) dst(%arg12 : memref<128x128xf32, #tpu.memory_space<vmem>>)
      %dma_wait3A_593 = arith.constant 0 : i32
      %dma_wait3A_594 = tpu.memref_slice %arg10[%add3A_586, %dma_wait3A_593] : memref<50x128xi32, #tpu.memory_space<vmem>> -> memref<1x128xi32, #tpu.memory_space<vmem>>
      %dma_wait3A_595 = tpu.memref_squeeze %dma_wait3A_594 : memref<1x128xi32, #tpu.memory_space<vmem>> -> memref<128xi32, #tpu.memory_space<vmem>>
      %dma_wait3A_596 = arith.constant 0 : i32
      %dma_wait3A_597 = arith.constant 0 : i32
      %dma_wait3A_598 = tpu.memref_slice %arg6[%dma_wait3A_596, %dma_wait3A_597] : memref<100000x32xf32, #tpu.memory_space<hbm>> -> memref<100000x32xf32, #tpu.memory_space<hbm>>
      tpu.wait_indirect_dma semaphore(%arg24 : memref<!tpu.dma_semaphore, #tpu.memory_space<semaphore_mem>>) src(%dma_wait3A_598 : memref<100000x32xf32, #tpu.memory_space<hbm>>) dst(%arg13 : memref<128x32xf32, #tpu.memory_space<vmem>>)
      %dma_wait3A_599 = arith.constant 0 : i32
      %dma_wait3A_600 = tpu.memref_slice %arg11[%add3A_586, %dma_wait3A_599] : memref<50x128xi32, #tpu.memory_space<vmem>> -> memref<1x128xi32, #tpu.memory_space<vmem>>
      %dma_wait3A_601 = tpu.memref_squeeze %dma_wait3A_600 : memref<1x128xi32, #tpu.memory_space<vmem>> -> memref<128xi32, #tpu.memory_space<vmem>>
      %dma_wait3A_602 = arith.constant 0 : i32
      %dma_wait3A_603 = arith.constant 0 : i32
      %dma_wait3A_604 = tpu.memref_slice %arg7[%dma_wait3A_602, %dma_wait3A_603] : memref<100000x32xf32, #tpu.memory_space<hbm>> -> memref<100000x32xf32, #tpu.memory_space<hbm>>
      tpu.wait_indirect_dma semaphore(%arg24 : memref<!tpu.dma_semaphore, #tpu.memory_space<semaphore_mem>>) src(%dma_wait3A_604 : memref<100000x32xf32, #tpu.memory_space<hbm>>) dst(%arg14 : memref<128x32xf32, #tpu.memory_space<vmem>>)
      %dma_start3A_605 = arith.constant 0 : i32
      %dma_start3A_606 = arith.constant 0 : i32
      %dma_start3A_607 = tpu.memref_slice %arg12[%dma_start3A_605, %dma_start3A_606] : memref<128x128xf32, #tpu.memory_space<vmem>> -> memref<128x64xf32, #tpu.memory_space<vmem>>
      %dma_start3A_608 = arith.constant 0 : i32
      %dma_start3A_609 = tpu.memref_slice %arg8[%add3A_586, %mul3A_2, %dma_start3A_608] : memref<50x4096x128xf32, #tpu.memory_space<hbm>> -> memref<1x128x64xf32, #tpu.memory_space<hbm>>
      %dma_start3A_610 = tpu.memref_squeeze %dma_start3A_609 : memref<1x128x64xf32, #tpu.memory_space<hbm>> -> memref<128x64xf32, #tpu.memory_space<hbm>>
      %dma_start3A_611 = arith.constant 0 : i32
      %dma_start3A_612 = tpu.memref_slice %arg8[%add3A_586, %mul3A_2, %dma_start3A_611] : memref<50x4096x128xf32, #tpu.memory_space<hbm>> -> memref<1x128x64xf32, #tpu.memory_space<hbm>>
      %dma_start3A_613 = tpu.memref_squeeze %dma_start3A_612 : memref<1x128x64xf32, #tpu.memory_space<hbm>> -> memref<128x64xf32, #tpu.memory_space<hbm>>
      %dma_start3A_614 = arith.constant 0 : i32
      %dma_start3A_615 = arith.constant 0 : i32
      %dma_start3A_616 = tpu.memref_slice %arg12[%dma_start3A_614, %dma_start3A_615] : memref<128x128xf32, #tpu.memory_space<vmem>> -> memref<128x64xf32, #tpu.memory_space<vmem>>
      tpu.enqueue_dma source(%dma_start3A_616 : memref<128x64xf32, #tpu.memory_space<vmem>>) target(%dma_start3A_613 : memref<128x64xf32, #tpu.memory_space<hbm>>) target_semaphore(%arg28 : memref<!tpu.dma_semaphore, #tpu.memory_space<semaphore_mem>>)
      %dma_start3A_617 = arith.constant 64 : i32
      %dma_start3A_618 = tpu.memref_slice %arg8[%add3A_586, %mul3A_2, %dma_start3A_617] : memref<50x4096x128xf32, #tpu.memory_space<hbm>> -> memref<1x128x32xf32, #tpu.memory_space<hbm>>
      %dma_start3A_619 = tpu.memref_squeeze %dma_start3A_618 : memref<1x128x32xf32, #tpu.memory_space<hbm>> -> memref<128x32xf32, #tpu.memory_space<hbm>>
      %dma_start3A_620 = arith.constant 64 : i32
      %dma_start3A_621 = tpu.memref_slice %arg8[%add3A_586, %mul3A_2, %dma_start3A_620] : memref<50x4096x128xf32, #tpu.memory_space<hbm>> -> memref<1x128x32xf32, #tpu.memory_space<hbm>>
      %dma_start3A_622 = tpu.memref_squeeze %dma_start3A_621 : memref<1x128x32xf32, #tpu.memory_space<hbm>> -> memref<128x32xf32, #tpu.memory_space<hbm>>
      tpu.enqueue_dma source(%arg13 : memref<128x32xf32, #tpu.memory_space<vmem>>) target(%dma_start3A_622 : memref<128x32xf32, #tpu.memory_space<hbm>>) target_semaphore(%arg28 : memref<!tpu.dma_semaphore, #tpu.memory_space<semaphore_mem>>)
      %dma_start3A_623 = arith.constant 96 : i32
      %dma_start3A_624 = tpu.memref_slice %arg8[%add3A_586, %mul3A_2, %dma_start3A_623] : memref<50x4096x128xf32, #tpu.memory_space<hbm>> -> memref<1x128x32xf32, #tpu.memory_space<hbm>>
      %dma_start3A_625 = tpu.memref_squeeze %dma_start3A_624 : memref<1x128x32xf32, #tpu.memory_space<hbm>> -> memref<128x32xf32, #tpu.memory_space<hbm>>
      %dma_start3A_626 = arith.constant 96 : i32
      %dma_start3A_627 = tpu.memref_slice %arg8[%add3A_586, %mul3A_2, %dma_start3A_626] : memref<50x4096x128xf32, #tpu.memory_space<hbm>> -> memref<1x128x32xf32, #tpu.memory_space<hbm>>
      %dma_start3A_628 = tpu.memref_squeeze %dma_start3A_627 : memref<1x128x32xf32, #tpu.memory_space<hbm>> -> memref<128x32xf32, #tpu.memory_space<hbm>>
      tpu.enqueue_dma source(%arg14 : memref<128x32xf32, #tpu.memory_space<vmem>>) target(%dma_start3A_628 : memref<128x32xf32, #tpu.memory_space<hbm>>) target_semaphore(%arg28 : memref<!tpu.dma_semaphore, #tpu.memory_space<semaphore_mem>>)
      %dma_wait3A_629 = arith.constant 0 : i32
      %dma_wait3A_630 = arith.constant 0 : i32
      %dma_wait3A_631 = tpu.memref_slice %arg12[%dma_wait3A_629, %dma_wait3A_630] : memref<128x128xf32, #tpu.memory_space<vmem>> -> memref<128x64xf32, #tpu.memory_space<vmem>>
      %dma_wait3A_632 = arith.constant 0 : i32
      %dma_wait3A_633 = tpu.memref_slice %arg8[%add3A_586, %mul3A_2, %dma_wait3A_632] : memref<50x4096x128xf32, #tpu.memory_space<hbm>> -> memref<1x128x64xf32, #tpu.memory_space<hbm>>
      %dma_wait3A_634 = tpu.memref_squeeze %dma_wait3A_633 : memref<1x128x64xf32, #tpu.memory_space<hbm>> -> memref<128x64xf32, #tpu.memory_space<hbm>>
      %dma_wait3A_635 = arith.constant 0 : i32
      %dma_wait3A_636 = tpu.memref_slice %arg8[%add3A_586, %mul3A_2, %dma_wait3A_635] : memref<50x4096x128xf32, #tpu.memory_space<hbm>> -> memref<1x128x64xf32, #tpu.memory_space<hbm>>
      %dma_wait3A_637 = tpu.memref_squeeze %dma_wait3A_636 : memref<1x128x64xf32, #tpu.memory_space<hbm>> -> memref<128x64xf32, #tpu.memory_space<hbm>>
      %dma_wait3A_638 = arith.constant 0 : i32
      %dma_wait3A_639 = arith.constant 0 : i32
      %dma_wait3A_640 = tpu.memref_slice %arg12[%dma_wait3A_638, %dma_wait3A_639] : memref<128x128xf32, #tpu.memory_space<vmem>> -> memref<128x64xf32, #tpu.memory_space<vmem>>
      tpu.wait_dma2 semaphore(%arg28 : memref<!tpu.dma_semaphore, #tpu.memory_space<semaphore_mem>>) src(%dma_wait3A_640 : memref<128x64xf32, #tpu.memory_space<vmem>>) dst(%dma_wait3A_637 : memref<128x64xf32, #tpu.memory_space<hbm>>)
      %dma_wait3A_641 = arith.constant 64 : i32
      %dma_wait3A_642 = tpu.memref_slice %arg8[%add3A_586, %mul3A_2, %dma_wait3A_641] : memref<50x4096x128xf32, #tpu.memory_space<hbm>> -> memref<1x128x32xf32, #tpu.memory_space<hbm>>
      %dma_wait3A_643 = tpu.memref_squeeze %dma_wait3A_642 : memref<1x128x32xf32, #tpu.memory_space<hbm>> -> memref<128x32xf32, #tpu.memory_space<hbm>>
      %dma_wait3A_644 = arith.constant 64 : i32
      %dma_wait3A_645 = tpu.memref_slice %arg8[%add3A_586, %mul3A_2, %dma_wait3A_644] : memref<50x4096x128xf32, #tpu.memory_space<hbm>> -> memref<1x128x32xf32, #tpu.memory_space<hbm>>
      %dma_wait3A_646 = tpu.memref_squeeze %dma_wait3A_645 : memref<1x128x32xf32, #tpu.memory_space<hbm>> -> memref<128x32xf32, #tpu.memory_space<hbm>>
      tpu.wait_dma2 semaphore(%arg28 : memref<!tpu.dma_semaphore, #tpu.memory_space<semaphore_mem>>) src(%arg13 : memref<128x32xf32, #tpu.memory_space<vmem>>) dst(%dma_wait3A_646 : memref<128x32xf32, #tpu.memory_space<hbm>>)
      %dma_wait3A_647 = arith.constant 96 : i32
      %dma_wait3A_648 = tpu.memref_slice %arg8[%add3A_586, %mul3A_2, %dma_wait3A_647] : memref<50x4096x128xf32, #tpu.memory_space<hbm>> -> memref<1x128x32xf32, #tpu.memory_space<hbm>>
      %dma_wait3A_649 = tpu.memref_squeeze %dma_wait3A_648 : memref<1x128x32xf32, #tpu.memory_space<hbm>> -> memref<128x32xf32, #tpu.memory_space<hbm>>
      %dma_wait3A_650 = arith.constant 96 : i32
      %dma_wait3A_651 = tpu.memref_slice %arg8[%add3A_586, %mul3A_2, %dma_wait3A_650] : memref<50x4096x128xf32, #tpu.memory_space<hbm>> -> memref<1x128x32xf32, #tpu.memory_space<hbm>>
      %dma_wait3A_652 = tpu.memref_squeeze %dma_wait3A_651 : memref<1x128x32xf32, #tpu.memory_space<hbm>> -> memref<128x32xf32, #tpu.memory_space<hbm>>
      tpu.wait_dma2 semaphore(%arg28 : memref<!tpu.dma_semaphore, #tpu.memory_space<semaphore_mem>>) src(%arg14 : memref<128x32xf32, #tpu.memory_space<vmem>>) dst(%dma_wait3A_652 : memref<128x32xf32, #tpu.memory_space<hbm>>)
      %add3A_653 = arith.constant 4 : i32
      %add3A_654 = arith.addi %add3A_586, %add3A_653 : i32
      %dma_start3A_655 = arith.constant 0 : i32
      %dma_start3A_656 = tpu.memref_slice %arg9[%add3A_654, %dma_start3A_655] : memref<50x128xi32, #tpu.memory_space<vmem>> -> memref<1x128xi32, #tpu.memory_space<vmem>>
      %dma_start3A_657 = tpu.memref_squeeze %dma_start3A_656 : memref<1x128xi32, #tpu.memory_space<vmem>> -> memref<128xi32, #tpu.memory_space<vmem>>
      %dma_start3A_658 = arith.constant 0 : i32
      %dma_start3A_659 = arith.constant 0 : i32
      %dma_start3A_660 = tpu.memref_slice %arg5[%dma_start3A_658, %dma_start3A_659] : memref<1000000x128xf32, #tpu.memory_space<hbm>> -> memref<1000000x128xf32, #tpu.memory_space<hbm>>
      tpu.enqueue_indirect_dma source(%dma_start3A_660 : memref<1000000x128xf32, #tpu.memory_space<hbm>>) target(%arg12 : memref<128x128xf32, #tpu.memory_space<vmem>>) offsets(%dma_start3A_657 : memref<128xi32, #tpu.memory_space<vmem>>) semaphore(%arg24 : memref<!tpu.dma_semaphore, #tpu.memory_space<semaphore_mem>>)
      %dma_start3A_661 = arith.constant 0 : i32
      %dma_start3A_662 = tpu.memref_slice %arg10[%add3A_654, %dma_start3A_661] : memref<50x128xi32, #tpu.memory_space<vmem>> -> memref<1x128xi32, #tpu.memory_space<vmem>>
      %dma_start3A_663 = tpu.memref_squeeze %dma_start3A_662 : memref<1x128xi32, #tpu.memory_space<vmem>> -> memref<128xi32, #tpu.memory_space<vmem>>
      %dma_start3A_664 = arith.constant 0 : i32
      %dma_start3A_665 = arith.constant 0 : i32
      %dma_start3A_666 = tpu.memref_slice %arg6[%dma_start3A_664, %dma_start3A_665] : memref<100000x32xf32, #tpu.memory_space<hbm>> -> memref<100000x32xf32, #tpu.memory_space<hbm>>
      tpu.enqueue_indirect_dma source(%dma_start3A_666 : memref<100000x32xf32, #tpu.memory_space<hbm>>) target(%arg13 : memref<128x32xf32, #tpu.memory_space<vmem>>) offsets(%dma_start3A_663 : memref<128xi32, #tpu.memory_space<vmem>>) semaphore(%arg24 : memref<!tpu.dma_semaphore, #tpu.memory_space<semaphore_mem>>)
      %dma_start3A_667 = arith.constant 0 : i32
      %dma_start3A_668 = tpu.memref_slice %arg11[%add3A_654, %dma_start3A_667] : memref<50x128xi32, #tpu.memory_space<vmem>> -> memref<1x128xi32, #tpu.memory_space<vmem>>
      %dma_start3A_669 = tpu.memref_squeeze %dma_start3A_668 : memref<1x128xi32, #tpu.memory_space<vmem>> -> memref<128xi32, #tpu.memory_space<vmem>>
      %dma_start3A_670 = arith.constant 0 : i32
      %dma_start3A_671 = arith.constant 0 : i32
      %dma_start3A_672 = tpu.memref_slice %arg7[%dma_start3A_670, %dma_start3A_671] : memref<100000x32xf32, #tpu.memory_space<hbm>> -> memref<100000x32xf32, #tpu.memory_space<hbm>>
      tpu.enqueue_indirect_dma source(%dma_start3A_672 : memref<100000x32xf32, #tpu.memory_space<hbm>>) target(%arg14 : memref<128x32xf32, #tpu.memory_space<vmem>>) offsets(%dma_start3A_669 : memref<128xi32, #tpu.memory_space<vmem>>) semaphore(%arg24 : memref<!tpu.dma_semaphore, #tpu.memory_space<semaphore_mem>>)
      %mul3A_673 = arith.constant 4 : i32
      %mul3A_674 = arith.muli %mul3A_673, %scan3A_582 : i32
      %add3A_675 = arith.constant 1 : i32
      %add3A_676 = arith.addi %mul3A_674, %add3A_675 : i32
      %dma_wait3A_677 = arith.constant 0 : i32
      %dma_wait3A_678 = tpu.memref_slice %arg9[%add3A_676, %dma_wait3A_677] : memref<50x128xi32, #tpu.memory_space<vmem>> -> memref<1x128xi32, #tpu.memory_space<vmem>>
      %dma_wait3A_679 = tpu.memref_squeeze %dma_wait3A_678 : memref<1x128xi32, #tpu.memory_space<vmem>> -> memref<128xi32, #tpu.memory_space<vmem>>
      %dma_wait3A_680 = arith.constant 0 : i32
      %dma_wait3A_681 = arith.constant 0 : i32
      %dma_wait3A_682 = tpu.memref_slice %arg5[%dma_wait3A_680, %dma_wait3A_681] : memref<1000000x128xf32, #tpu.memory_space<hbm>> -> memref<1000000x128xf32, #tpu.memory_space<hbm>>
      tpu.wait_indirect_dma semaphore(%arg25 : memref<!tpu.dma_semaphore, #tpu.memory_space<semaphore_mem>>) src(%dma_wait3A_682 : memref<1000000x128xf32, #tpu.memory_space<hbm>>) dst(%arg15 : memref<128x128xf32, #tpu.memory_space<vmem>>)
      %dma_wait3A_683 = arith.constant 0 : i32
      %dma_wait3A_684 = tpu.memref_slice %arg10[%add3A_676, %dma_wait3A_683] : memref<50x128xi32, #tpu.memory_space<vmem>> -> memref<1x128xi32, #tpu.memory_space<vmem>>
      %dma_wait3A_685 = tpu.memref_squeeze %dma_wait3A_684 : memref<1x128xi32, #tpu.memory_space<vmem>> -> memref<128xi32, #tpu.memory_space<vmem>>
      %dma_wait3A_686 = arith.constant 0 : i32
      %dma_wait3A_687 = arith.constant 0 : i32
      %dma_wait3A_688 = tpu.memref_slice %arg6[%dma_wait3A_686, %dma_wait3A_687] : memref<100000x32xf32, #tpu.memory_space<hbm>> -> memref<100000x32xf32, #tpu.memory_space<hbm>>
      tpu.wait_indirect_dma semaphore(%arg25 : memref<!tpu.dma_semaphore, #tpu.memory_space<semaphore_mem>>) src(%dma_wait3A_688 : memref<100000x32xf32, #tpu.memory_space<hbm>>) dst(%arg16 : memref<128x32xf32, #tpu.memory_space<vmem>>)
      %dma_wait3A_689 = arith.constant 0 : i32
      %dma_wait3A_690 = tpu.memref_slice %arg11[%add3A_676, %dma_wait3A_689] : memref<50x128xi32, #tpu.memory_space<vmem>> -> memref<1x128xi32, #tpu.memory_space<vmem>>
      %dma_wait3A_691 = tpu.memref_squeeze %dma_wait3A_690 : memref<1x128xi32, #tpu.memory_space<vmem>> -> memref<128xi32, #tpu.memory_space<vmem>>
      %dma_wait3A_692 = arith.constant 0 : i32
      %dma_wait3A_693 = arith.constant 0 : i32
      %dma_wait3A_694 = tpu.memref_slice %arg7[%dma_wait3A_692, %dma_wait3A_693] : memref<100000x32xf32, #tpu.memory_space<hbm>> -> memref<100000x32xf32, #tpu.memory_space<hbm>>
      tpu.wait_indirect_dma semaphore(%arg25 : memref<!tpu.dma_semaphore, #tpu.memory_space<semaphore_mem>>) src(%dma_wait3A_694 : memref<100000x32xf32, #tpu.memory_space<hbm>>) dst(%arg17 : memref<128x32xf32, #tpu.memory_space<vmem>>)
      %dma_start3A_695 = arith.constant 0 : i32
      %dma_start3A_696 = arith.constant 0 : i32
      %dma_start3A_697 = tpu.memref_slice %arg15[%dma_start3A_695, %dma_start3A_696] : memref<128x128xf32, #tpu.memory_space<vmem>> -> memref<128x64xf32, #tpu.memory_space<vmem>>
      %dma_start3A_698 = arith.constant 0 : i32
      %dma_start3A_699 = tpu.memref_slice %arg8[%add3A_676, %mul3A_2, %dma_start3A_698] : memref<50x4096x128xf32, #tpu.memory_space<hbm>> -> memref<1x128x64xf32, #tpu.memory_space<hbm>>
      %dma_start3A_700 = tpu.memref_squeeze %dma_start3A_699 : memref<1x128x64xf32, #tpu.memory_space<hbm>> -> memref<128x64xf32, #tpu.memory_space<hbm>>
      %dma_start3A_701 = arith.constant 0 : i32
      %dma_start3A_702 = tpu.memref_slice %arg8[%add3A_676, %mul3A_2, %dma_start3A_701] : memref<50x4096x128xf32, #tpu.memory_space<hbm>> -> memref<1x128x64xf32, #tpu.memory_space<hbm>>
      %dma_start3A_703 = tpu.memref_squeeze %dma_start3A_702 : memref<1x128x64xf32, #tpu.memory_space<hbm>> -> memref<128x64xf32, #tpu.memory_space<hbm>>
      %dma_start3A_704 = arith.constant 0 : i32
      %dma_start3A_705 = arith.constant 0 : i32
      %dma_start3A_706 = tpu.memref_slice %arg15[%dma_start3A_704, %dma_start3A_705] : memref<128x128xf32, #tpu.memory_space<vmem>> -> memref<128x64xf32, #tpu.memory_space<vmem>>
      tpu.enqueue_dma source(%dma_start3A_706 : memref<128x64xf32, #tpu.memory_space<vmem>>) target(%dma_start3A_703 : memref<128x64xf32, #tpu.memory_space<hbm>>) target_semaphore(%arg29 : memref<!tpu.dma_semaphore, #tpu.memory_space<semaphore_mem>>)
      %dma_start3A_707 = arith.constant 64 : i32
      %dma_start3A_708 = tpu.memref_slice %arg8[%add3A_676, %mul3A_2, %dma_start3A_707] : memref<50x4096x128xf32, #tpu.memory_space<hbm>> -> memref<1x128x32xf32, #tpu.memory_space<hbm>>
      %dma_start3A_709 = tpu.memref_squeeze %dma_start3A_708 : memref<1x128x32xf32, #tpu.memory_space<hbm>> -> memref<128x32xf32, #tpu.memory_space<hbm>>
      %dma_start3A_710 = arith.constant 64 : i32
      %dma_start3A_711 = tpu.memref_slice %arg8[%add3A_676, %mul3A_2, %dma_start3A_710] : memref<50x4096x128xf32, #tpu.memory_space<hbm>> -> memref<1x128x32xf32, #tpu.memory_space<hbm>>
      %dma_start3A_712 = tpu.memref_squeeze %dma_start3A_711 : memref<1x128x32xf32, #tpu.memory_space<hbm>> -> memref<128x32xf32, #tpu.memory_space<hbm>>
      tpu.enqueue_dma source(%arg16 : memref<128x32xf32, #tpu.memory_space<vmem>>) target(%dma_start3A_712 : memref<128x32xf32, #tpu.memory_space<hbm>>) target_semaphore(%arg29 : memref<!tpu.dma_semaphore, #tpu.memory_space<semaphore_mem>>)
      %dma_start3A_713 = arith.constant 96 : i32
      %dma_start3A_714 = tpu.memref_slice %arg8[%add3A_676, %mul3A_2, %dma_start3A_713] : memref<50x4096x128xf32, #tpu.memory_space<hbm>> -> memref<1x128x32xf32, #tpu.memory_space<hbm>>
      %dma_start3A_715 = tpu.memref_squeeze %dma_start3A_714 : memref<1x128x32xf32, #tpu.memory_space<hbm>> -> memref<128x32xf32, #tpu.memory_space<hbm>>
      %dma_start3A_716 = arith.constant 96 : i32
      %dma_start3A_717 = tpu.memref_slice %arg8[%add3A_676, %mul3A_2, %dma_start3A_716] : memref<50x4096x128xf32, #tpu.memory_space<hbm>> -> memref<1x128x32xf32, #tpu.memory_space<hbm>>
      %dma_start3A_718 = tpu.memref_squeeze %dma_start3A_717 : memref<1x128x32xf32, #tpu.memory_space<hbm>> -> memref<128x32xf32, #tpu.memory_space<hbm>>
      tpu.enqueue_dma source(%arg17 : memref<128x32xf32, #tpu.memory_space<vmem>>) target(%dma_start3A_718 : memref<128x32xf32, #tpu.memory_space<hbm>>) target_semaphore(%arg29 : memref<!tpu.dma_semaphore, #tpu.memory_space<semaphore_mem>>)
      %dma_wait3A_719 = arith.constant 0 : i32
      %dma_wait3A_720 = arith.constant 0 : i32
      %dma_wait3A_721 = tpu.memref_slice %arg15[%dma_wait3A_719, %dma_wait3A_720] : memref<128x128xf32, #tpu.memory_space<vmem>> -> memref<128x64xf32, #tpu.memory_space<vmem>>
      %dma_wait3A_722 = arith.constant 0 : i32
      %dma_wait3A_723 = tpu.memref_slice %arg8[%add3A_676, %mul3A_2, %dma_wait3A_722] : memref<50x4096x128xf32, #tpu.memory_space<hbm>> -> memref<1x128x64xf32, #tpu.memory_space<hbm>>
      %dma_wait3A_724 = tpu.memref_squeeze %dma_wait3A_723 : memref<1x128x64xf32, #tpu.memory_space<hbm>> -> memref<128x64xf32, #tpu.memory_space<hbm>>
      %dma_wait3A_725 = arith.constant 0 : i32
      %dma_wait3A_726 = tpu.memref_slice %arg8[%add3A_676, %mul3A_2, %dma_wait3A_725] : memref<50x4096x128xf32, #tpu.memory_space<hbm>> -> memref<1x128x64xf32, #tpu.memory_space<hbm>>
      %dma_wait3A_727 = tpu.memref_squeeze %dma_wait3A_726 : memref<1x128x64xf32, #tpu.memory_space<hbm>> -> memref<128x64xf32, #tpu.memory_space<hbm>>
      %dma_wait3A_728 = arith.constant 0 : i32
      %dma_wait3A_729 = arith.constant 0 : i32
      %dma_wait3A_730 = tpu.memref_slice %arg15[%dma_wait3A_728, %dma_wait3A_729] : memref<128x128xf32, #tpu.memory_space<vmem>> -> memref<128x64xf32, #tpu.memory_space<vmem>>
      tpu.wait_dma2 semaphore(%arg29 : memref<!tpu.dma_semaphore, #tpu.memory_space<semaphore_mem>>) src(%dma_wait3A_730 : memref<128x64xf32, #tpu.memory_space<vmem>>) dst(%dma_wait3A_727 : memref<128x64xf32, #tpu.memory_space<hbm>>)
      %dma_wait3A_731 = arith.constant 64 : i32
      %dma_wait3A_732 = tpu.memref_slice %arg8[%add3A_676, %mul3A_2, %dma_wait3A_731] : memref<50x4096x128xf32, #tpu.memory_space<hbm>> -> memref<1x128x32xf32, #tpu.memory_space<hbm>>
      %dma_wait3A_733 = tpu.memref_squeeze %dma_wait3A_732 : memref<1x128x32xf32, #tpu.memory_space<hbm>> -> memref<128x32xf32, #tpu.memory_space<hbm>>
      %dma_wait3A_734 = arith.constant 64 : i32
      %dma_wait3A_735 = tpu.memref_slice %arg8[%add3A_676, %mul3A_2, %dma_wait3A_734] : memref<50x4096x128xf32, #tpu.memory_space<hbm>> -> memref<1x128x32xf32, #tpu.memory_space<hbm>>
      %dma_wait3A_736 = tpu.memref_squeeze %dma_wait3A_735 : memref<1x128x32xf32, #tpu.memory_space<hbm>> -> memref<128x32xf32, #tpu.memory_space<hbm>>
      tpu.wait_dma2 semaphore(%arg29 : memref<!tpu.dma_semaphore, #tpu.memory_space<semaphore_mem>>) src(%arg16 : memref<128x32xf32, #tpu.memory_space<vmem>>) dst(%dma_wait3A_736 : memref<128x32xf32, #tpu.memory_space<hbm>>)
      %dma_wait3A_737 = arith.constant 96 : i32
      %dma_wait3A_738 = tpu.memref_slice %arg8[%add3A_676, %mul3A_2, %dma_wait3A_737] : memref<50x4096x128xf32, #tpu.memory_space<hbm>> -> memref<1x128x32xf32, #tpu.memory_space<hbm>>
      %dma_wait3A_739 = tpu.memref_squeeze %dma_wait3A_738 : memref<1x128x32xf32, #tpu.memory_space<hbm>> -> memref<128x32xf32, #tpu.memory_space<hbm>>
      %dma_wait3A_740 = arith.constant 96 : i32
      %dma_wait3A_741 = tpu.memref_slice %arg8[%add3A_676, %mul3A_2, %dma_wait3A_740] : memref<50x4096x128xf32, #tpu.memory_space<hbm>> -> memref<1x128x32xf32, #tpu.memory_space<hbm>>
      %dma_wait3A_742 = tpu.memref_squeeze %dma_wait3A_741 : memref<1x128x32xf32, #tpu.memory_space<hbm>> -> memref<128x32xf32, #tpu.memory_space<hbm>>
      tpu.wait_dma2 semaphore(%arg29 : memref<!tpu.dma_semaphore, #tpu.memory_space<semaphore_mem>>) src(%arg17 : memref<128x32xf32, #tpu.memory_space<vmem>>) dst(%dma_wait3A_742 : memref<128x32xf32, #tpu.memory_space<hbm>>)
      %add3A_743 = arith.constant 4 : i32
      %add3A_744 = arith.addi %add3A_676, %add3A_743 : i32
      %dma_start3A_745 = arith.constant 0 : i32
      %dma_start3A_746 = tpu.memref_slice %arg9[%add3A_744, %dma_start3A_745] : memref<50x128xi32, #tpu.memory_space<vmem>> -> memref<1x128xi32, #tpu.memory_space<vmem>>
      %dma_start3A_747 = tpu.memref_squeeze %dma_start3A_746 : memref<1x128xi32, #tpu.memory_space<vmem>> -> memref<128xi32, #tpu.memory_space<vmem>>
      %dma_start3A_748 = arith.constant 0 : i32
      %dma_start3A_749 = arith.constant 0 : i32
      %dma_start3A_750 = tpu.memref_slice %arg5[%dma_start3A_748, %dma_start3A_749] : memref<1000000x128xf32, #tpu.memory_space<hbm>> -> memref<1000000x128xf32, #tpu.memory_space<hbm>>
      tpu.enqueue_indirect_dma source(%dma_start3A_750 : memref<1000000x128xf32, #tpu.memory_space<hbm>>) target(%arg15 : memref<128x128xf32, #tpu.memory_space<vmem>>) offsets(%dma_start3A_747 : memref<128xi32, #tpu.memory_space<vmem>>) semaphore(%arg25 : memref<!tpu.dma_semaphore, #tpu.memory_space<semaphore_mem>>)
      %dma_start3A_751 = arith.constant 0 : i32
      %dma_start3A_752 = tpu.memref_slice %arg10[%add3A_744, %dma_start3A_751] : memref<50x128xi32, #tpu.memory_space<vmem>> -> memref<1x128xi32, #tpu.memory_space<vmem>>
      %dma_start3A_753 = tpu.memref_squeeze %dma_start3A_752 : memref<1x128xi32, #tpu.memory_space<vmem>> -> memref<128xi32, #tpu.memory_space<vmem>>
      %dma_start3A_754 = arith.constant 0 : i32
      %dma_start3A_755 = arith.constant 0 : i32
      %dma_start3A_756 = tpu.memref_slice %arg6[%dma_start3A_754, %dma_start3A_755] : memref<100000x32xf32, #tpu.memory_space<hbm>> -> memref<100000x32xf32, #tpu.memory_space<hbm>>
      tpu.enqueue_indirect_dma source(%dma_start3A_756 : memref<100000x32xf32, #tpu.memory_space<hbm>>) target(%arg16 : memref<128x32xf32, #tpu.memory_space<vmem>>) offsets(%dma_start3A_753 : memref<128xi32, #tpu.memory_space<vmem>>) semaphore(%arg25 : memref<!tpu.dma_semaphore, #tpu.memory_space<semaphore_mem>>)
      %dma_start3A_757 = arith.constant 0 : i32
      %dma_start3A_758 = tpu.memref_slice %arg11[%add3A_744, %dma_start3A_757] : memref<50x128xi32, #tpu.memory_space<vmem>> -> memref<1x128xi32, #tpu.memory_space<vmem>>
      %dma_start3A_759 = tpu.memref_squeeze %dma_start3A_758 : memref<1x128xi32, #tpu.memory_space<vmem>> -> memref<128xi32, #tpu.memory_space<vmem>>
      %dma_start3A_760 = arith.constant 0 : i32
      %dma_start3A_761 = arith.constant 0 : i32
      %dma_start3A_762 = tpu.memref_slice %arg7[%dma_start3A_760, %dma_start3A_761] : memref<100000x32xf32, #tpu.memory_space<hbm>> -> memref<100000x32xf32, #tpu.memory_space<hbm>>
      tpu.enqueue_indirect_dma source(%dma_start3A_762 : memref<100000x32xf32, #tpu.memory_space<hbm>>) target(%arg17 : memref<128x32xf32, #tpu.memory_space<vmem>>) offsets(%dma_start3A_759 : memref<128xi32, #tpu.memory_space<vmem>>) semaphore(%arg25 : memref<!tpu.dma_semaphore, #tpu.memory_space<semaphore_mem>>)
      %mul3A_763 = arith.constant 4 : i32
      %mul3A_764 = arith.muli %mul3A_763, %scan3A_582 : i32
      %add3A_765 = arith.constant 2 : i32
      %add3A_766 = arith.addi %mul3A_764, %add3A_765 : i32
      %dma_wait3A_767 = arith.constant 0 : i32
      %dma_wait3A_768 = tpu.memref_slice %arg9[%add3A_766, %dma_wait3A_767] : memref<50x128xi32, #tpu.memory_space<vmem>> -> memref<1x128xi32, #tpu.memory_space<vmem>>
      %dma_wait3A_769 = tpu.memref_squeeze %dma_wait3A_768 : memref<1x128xi32, #tpu.memory_space<vmem>> -> memref<128xi32, #tpu.memory_space<vmem>>
      %dma_wait3A_770 = arith.constant 0 : i32
      %dma_wait3A_771 = arith.constant 0 : i32
      %dma_wait3A_772 = tpu.memref_slice %arg5[%dma_wait3A_770, %dma_wait3A_771] : memref<1000000x128xf32, #tpu.memory_space<hbm>> -> memref<1000000x128xf32, #tpu.memory_space<hbm>>
      tpu.wait_indirect_dma semaphore(%arg26 : memref<!tpu.dma_semaphore, #tpu.memory_space<semaphore_mem>>) src(%dma_wait3A_772 : memref<1000000x128xf32, #tpu.memory_space<hbm>>) dst(%arg18 : memref<128x128xf32, #tpu.memory_space<vmem>>)
      %dma_wait3A_773 = arith.constant 0 : i32
      %dma_wait3A_774 = tpu.memref_slice %arg10[%add3A_766, %dma_wait3A_773] : memref<50x128xi32, #tpu.memory_space<vmem>> -> memref<1x128xi32, #tpu.memory_space<vmem>>
      %dma_wait3A_775 = tpu.memref_squeeze %dma_wait3A_774 : memref<1x128xi32, #tpu.memory_space<vmem>> -> memref<128xi32, #tpu.memory_space<vmem>>
      %dma_wait3A_776 = arith.constant 0 : i32
      %dma_wait3A_777 = arith.constant 0 : i32
      %dma_wait3A_778 = tpu.memref_slice %arg6[%dma_wait3A_776, %dma_wait3A_777] : memref<100000x32xf32, #tpu.memory_space<hbm>> -> memref<100000x32xf32, #tpu.memory_space<hbm>>
      tpu.wait_indirect_dma semaphore(%arg26 : memref<!tpu.dma_semaphore, #tpu.memory_space<semaphore_mem>>) src(%dma_wait3A_778 : memref<100000x32xf32, #tpu.memory_space<hbm>>) dst(%arg19 : memref<128x32xf32, #tpu.memory_space<vmem>>)
      %dma_wait3A_779 = arith.constant 0 : i32
      %dma_wait3A_780 = tpu.memref_slice %arg11[%add3A_766, %dma_wait3A_779] : memref<50x128xi32, #tpu.memory_space<vmem>> -> memref<1x128xi32, #tpu.memory_space<vmem>>
      %dma_wait3A_781 = tpu.memref_squeeze %dma_wait3A_780 : memref<1x128xi32, #tpu.memory_space<vmem>> -> memref<128xi32, #tpu.memory_space<vmem>>
      %dma_wait3A_782 = arith.constant 0 : i32
      %dma_wait3A_783 = arith.constant 0 : i32
      %dma_wait3A_784 = tpu.memref_slice %arg7[%dma_wait3A_782, %dma_wait3A_783] : memref<100000x32xf32, #tpu.memory_space<hbm>> -> memref<100000x32xf32, #tpu.memory_space<hbm>>
      tpu.wait_indirect_dma semaphore(%arg26 : memref<!tpu.dma_semaphore, #tpu.memory_space<semaphore_mem>>) src(%dma_wait3A_784 : memref<100000x32xf32, #tpu.memory_space<hbm>>) dst(%arg20 : memref<128x32xf32, #tpu.memory_space<vmem>>)
      %dma_start3A_785 = arith.constant 0 : i32
      %dma_start3A_786 = arith.constant 0 : i32
      %dma_start3A_787 = tpu.memref_slice %arg18[%dma_start3A_785, %dma_start3A_786] : memref<128x128xf32, #tpu.memory_space<vmem>> -> memref<128x64xf32, #tpu.memory_space<vmem>>
      %dma_start3A_788 = arith.constant 0 : i32
      %dma_start3A_789 = tpu.memref_slice %arg8[%add3A_766, %mul3A_2, %dma_start3A_788] : memref<50x4096x128xf32, #tpu.memory_space<hbm>> -> memref<1x128x64xf32, #tpu.memory_space<hbm>>
      %dma_start3A_790 = tpu.memref_squeeze %dma_start3A_789 : memref<1x128x64xf32, #tpu.memory_space<hbm>> -> memref<128x64xf32, #tpu.memory_space<hbm>>
      %dma_start3A_791 = arith.constant 0 : i32
      %dma_start3A_792 = tpu.memref_slice %arg8[%add3A_766, %mul3A_2, %dma_start3A_791] : memref<50x4096x128xf32, #tpu.memory_space<hbm>> -> memref<1x128x64xf32, #tpu.memory_space<hbm>>
      %dma_start3A_793 = tpu.memref_squeeze %dma_start3A_792 : memref<1x128x64xf32, #tpu.memory_space<hbm>> -> memref<128x64xf32, #tpu.memory_space<hbm>>
      %dma_start3A_794 = arith.constant 0 : i32
      %dma_start3A_795 = arith.constant 0 : i32
      %dma_start3A_796 = tpu.memref_slice %arg18[%dma_start3A_794, %dma_start3A_795] : memref<128x128xf32, #tpu.memory_space<vmem>> -> memref<128x64xf32, #tpu.memory_space<vmem>>
      tpu.enqueue_dma source(%dma_start3A_796 : memref<128x64xf32, #tpu.memory_space<vmem>>) target(%dma_start3A_793 : memref<128x64xf32, #tpu.memory_space<hbm>>) target_semaphore(%arg30 : memref<!tpu.dma_semaphore, #tpu.memory_space<semaphore_mem>>)
      %dma_start3A_797 = arith.constant 64 : i32
      %dma_start3A_798 = tpu.memref_slice %arg8[%add3A_766, %mul3A_2, %dma_start3A_797] : memref<50x4096x128xf32, #tpu.memory_space<hbm>> -> memref<1x128x32xf32, #tpu.memory_space<hbm>>
      %dma_start3A_799 = tpu.memref_squeeze %dma_start3A_798 : memref<1x128x32xf32, #tpu.memory_space<hbm>> -> memref<128x32xf32, #tpu.memory_space<hbm>>
      %dma_start3A_800 = arith.constant 64 : i32
      %dma_start3A_801 = tpu.memref_slice %arg8[%add3A_766, %mul3A_2, %dma_start3A_800] : memref<50x4096x128xf32, #tpu.memory_space<hbm>> -> memref<1x128x32xf32, #tpu.memory_space<hbm>>
      %dma_start3A_802 = tpu.memref_squeeze %dma_start3A_801 : memref<1x128x32xf32, #tpu.memory_space<hbm>> -> memref<128x32xf32, #tpu.memory_space<hbm>>
      tpu.enqueue_dma source(%arg19 : memref<128x32xf32, #tpu.memory_space<vmem>>) target(%dma_start3A_802 : memref<128x32xf32, #tpu.memory_space<hbm>>) target_semaphore(%arg30 : memref<!tpu.dma_semaphore, #tpu.memory_space<semaphore_mem>>)
      %dma_start3A_803 = arith.constant 96 : i32
      %dma_start3A_804 = tpu.memref_slice %arg8[%add3A_766, %mul3A_2, %dma_start3A_803] : memref<50x4096x128xf32, #tpu.memory_space<hbm>> -> memref<1x128x32xf32, #tpu.memory_space<hbm>>
      %dma_start3A_805 = tpu.memref_squeeze %dma_start3A_804 : memref<1x128x32xf32, #tpu.memory_space<hbm>> -> memref<128x32xf32, #tpu.memory_space<hbm>>
      %dma_start3A_806 = arith.constant 96 : i32
      %dma_start3A_807 = tpu.memref_slice %arg8[%add3A_766, %mul3A_2, %dma_start3A_806] : memref<50x4096x128xf32, #tpu.memory_space<hbm>> -> memref<1x128x32xf32, #tpu.memory_space<hbm>>
      %dma_start3A_808 = tpu.memref_squeeze %dma_start3A_807 : memref<1x128x32xf32, #tpu.memory_space<hbm>> -> memref<128x32xf32, #tpu.memory_space<hbm>>
      tpu.enqueue_dma source(%arg20 : memref<128x32xf32, #tpu.memory_space<vmem>>) target(%dma_start3A_808 : memref<128x32xf32, #tpu.memory_space<hbm>>) target_semaphore(%arg30 : memref<!tpu.dma_semaphore, #tpu.memory_space<semaphore_mem>>)
      %dma_wait3A_809 = arith.constant 0 : i32
      %dma_wait3A_810 = arith.constant 0 : i32
      %dma_wait3A_811 = tpu.memref_slice %arg18[%dma_wait3A_809, %dma_wait3A_810] : memref<128x128xf32, #tpu.memory_space<vmem>> -> memref<128x64xf32, #tpu.memory_space<vmem>>
      %dma_wait3A_812 = arith.constant 0 : i32
      %dma_wait3A_813 = tpu.memref_slice %arg8[%add3A_766, %mul3A_2, %dma_wait3A_812] : memref<50x4096x128xf32, #tpu.memory_space<hbm>> -> memref<1x128x64xf32, #tpu.memory_space<hbm>>
      %dma_wait3A_814 = tpu.memref_squeeze %dma_wait3A_813 : memref<1x128x64xf32, #tpu.memory_space<hbm>> -> memref<128x64xf32, #tpu.memory_space<hbm>>
      %dma_wait3A_815 = arith.constant 0 : i32
      %dma_wait3A_816 = tpu.memref_slice %arg8[%add3A_766, %mul3A_2, %dma_wait3A_815] : memref<50x4096x128xf32, #tpu.memory_space<hbm>> -> memref<1x128x64xf32, #tpu.memory_space<hbm>>
      %dma_wait3A_817 = tpu.memref_squeeze %dma_wait3A_816 : memref<1x128x64xf32, #tpu.memory_space<hbm>> -> memref<128x64xf32, #tpu.memory_space<hbm>>
      %dma_wait3A_818 = arith.constant 0 : i32
      %dma_wait3A_819 = arith.constant 0 : i32
      %dma_wait3A_820 = tpu.memref_slice %arg18[%dma_wait3A_818, %dma_wait3A_819] : memref<128x128xf32, #tpu.memory_space<vmem>> -> memref<128x64xf32, #tpu.memory_space<vmem>>
      tpu.wait_dma2 semaphore(%arg30 : memref<!tpu.dma_semaphore, #tpu.memory_space<semaphore_mem>>) src(%dma_wait3A_820 : memref<128x64xf32, #tpu.memory_space<vmem>>) dst(%dma_wait3A_817 : memref<128x64xf32, #tpu.memory_space<hbm>>)
      %dma_wait3A_821 = arith.constant 64 : i32
      %dma_wait3A_822 = tpu.memref_slice %arg8[%add3A_766, %mul3A_2, %dma_wait3A_821] : memref<50x4096x128xf32, #tpu.memory_space<hbm>> -> memref<1x128x32xf32, #tpu.memory_space<hbm>>
      %dma_wait3A_823 = tpu.memref_squeeze %dma_wait3A_822 : memref<1x128x32xf32, #tpu.memory_space<hbm>> -> memref<128x32xf32, #tpu.memory_space<hbm>>
      %dma_wait3A_824 = arith.constant 64 : i32
      %dma_wait3A_825 = tpu.memref_slice %arg8[%add3A_766, %mul3A_2, %dma_wait3A_824] : memref<50x4096x128xf32, #tpu.memory_space<hbm>> -> memref<1x128x32xf32, #tpu.memory_space<hbm>>
      %dma_wait3A_826 = tpu.memref_squeeze %dma_wait3A_825 : memref<1x128x32xf32, #tpu.memory_space<hbm>> -> memref<128x32xf32, #tpu.memory_space<hbm>>
      tpu.wait_dma2 semaphore(%arg30 : memref<!tpu.dma_semaphore, #tpu.memory_space<semaphore_mem>>) src(%arg19 : memref<128x32xf32, #tpu.memory_space<vmem>>) dst(%dma_wait3A_826 : memref<128x32xf32, #tpu.memory_space<hbm>>)
      %dma_wait3A_827 = arith.constant 96 : i32
      %dma_wait3A_828 = tpu.memref_slice %arg8[%add3A_766, %mul3A_2, %dma_wait3A_827] : memref<50x4096x128xf32, #tpu.memory_space<hbm>> -> memref<1x128x32xf32, #tpu.memory_space<hbm>>
      %dma_wait3A_829 = tpu.memref_squeeze %dma_wait3A_828 : memref<1x128x32xf32, #tpu.memory_space<hbm>> -> memref<128x32xf32, #tpu.memory_space<hbm>>
      %dma_wait3A_830 = arith.constant 96 : i32
      %dma_wait3A_831 = tpu.memref_slice %arg8[%add3A_766, %mul3A_2, %dma_wait3A_830] : memref<50x4096x128xf32, #tpu.memory_space<hbm>> -> memref<1x128x32xf32, #tpu.memory_space<hbm>>
      %dma_wait3A_832 = tpu.memref_squeeze %dma_wait3A_831 : memref<1x128x32xf32, #tpu.memory_space<hbm>> -> memref<128x32xf32, #tpu.memory_space<hbm>>
      tpu.wait_dma2 semaphore(%arg30 : memref<!tpu.dma_semaphore, #tpu.memory_space<semaphore_mem>>) src(%arg20 : memref<128x32xf32, #tpu.memory_space<vmem>>) dst(%dma_wait3A_832 : memref<128x32xf32, #tpu.memory_space<hbm>>)
      %add3A_833 = arith.constant 4 : i32
      %add3A_834 = arith.addi %add3A_766, %add3A_833 : i32
      %dma_start3A_835 = arith.constant 0 : i32
      %dma_start3A_836 = tpu.memref_slice %arg9[%add3A_834, %dma_start3A_835] : memref<50x128xi32, #tpu.memory_space<vmem>> -> memref<1x128xi32, #tpu.memory_space<vmem>>
      %dma_start3A_837 = tpu.memref_squeeze %dma_start3A_836 : memref<1x128xi32, #tpu.memory_space<vmem>> -> memref<128xi32, #tpu.memory_space<vmem>>
      %dma_start3A_838 = arith.constant 0 : i32
      %dma_start3A_839 = arith.constant 0 : i32
      %dma_start3A_840 = tpu.memref_slice %arg5[%dma_start3A_838, %dma_start3A_839] : memref<1000000x128xf32, #tpu.memory_space<hbm>> -> memref<1000000x128xf32, #tpu.memory_space<hbm>>
      tpu.enqueue_indirect_dma source(%dma_start3A_840 : memref<1000000x128xf32, #tpu.memory_space<hbm>>) target(%arg18 : memref<128x128xf32, #tpu.memory_space<vmem>>) offsets(%dma_start3A_837 : memref<128xi32, #tpu.memory_space<vmem>>) semaphore(%arg26 : memref<!tpu.dma_semaphore, #tpu.memory_space<semaphore_mem>>)
      %dma_start3A_841 = arith.constant 0 : i32
      %dma_start3A_842 = tpu.memref_slice %arg10[%add3A_834, %dma_start3A_841] : memref<50x128xi32, #tpu.memory_space<vmem>> -> memref<1x128xi32, #tpu.memory_space<vmem>>
      %dma_start3A_843 = tpu.memref_squeeze %dma_start3A_842 : memref<1x128xi32, #tpu.memory_space<vmem>> -> memref<128xi32, #tpu.memory_space<vmem>>
      %dma_start3A_844 = arith.constant 0 : i32
      %dma_start3A_845 = arith.constant 0 : i32
      %dma_start3A_846 = tpu.memref_slice %arg6[%dma_start3A_844, %dma_start3A_845] : memref<100000x32xf32, #tpu.memory_space<hbm>> -> memref<100000x32xf32, #tpu.memory_space<hbm>>
      tpu.enqueue_indirect_dma source(%dma_start3A_846 : memref<100000x32xf32, #tpu.memory_space<hbm>>) target(%arg19 : memref<128x32xf32, #tpu.memory_space<vmem>>) offsets(%dma_start3A_843 : memref<128xi32, #tpu.memory_space<vmem>>) semaphore(%arg26 : memref<!tpu.dma_semaphore, #tpu.memory_space<semaphore_mem>>)
      %dma_start3A_847 = arith.constant 0 : i32
      %dma_start3A_848 = tpu.memref_slice %arg11[%add3A_834, %dma_start3A_847] : memref<50x128xi32, #tpu.memory_space<vmem>> -> memref<1x128xi32, #tpu.memory_space<vmem>>
      %dma_start3A_849 = tpu.memref_squeeze %dma_start3A_848 : memref<1x128xi32, #tpu.memory_space<vmem>> -> memref<128xi32, #tpu.memory_space<vmem>>
      %dma_start3A_850 = arith.constant 0 : i32
      %dma_start3A_851 = arith.constant 0 : i32
      %dma_start3A_852 = tpu.memref_slice %arg7[%dma_start3A_850, %dma_start3A_851] : memref<100000x32xf32, #tpu.memory_space<hbm>> -> memref<100000x32xf32, #tpu.memory_space<hbm>>
      tpu.enqueue_indirect_dma source(%dma_start3A_852 : memref<100000x32xf32, #tpu.memory_space<hbm>>) target(%arg20 : memref<128x32xf32, #tpu.memory_space<vmem>>) offsets(%dma_start3A_849 : memref<128xi32, #tpu.memory_space<vmem>>) semaphore(%arg26 : memref<!tpu.dma_semaphore, #tpu.memory_space<semaphore_mem>>)
      %mul3A_853 = arith.constant 4 : i32
      %mul3A_854 = arith.muli %mul3A_853, %scan3A_582 : i32
      %add3A_855 = arith.constant 3 : i32
      %add3A_856 = arith.addi %mul3A_854, %add3A_855 : i32
      %dma_wait3A_857 = arith.constant 0 : i32
      %dma_wait3A_858 = tpu.memref_slice %arg9[%add3A_856, %dma_wait3A_857] : memref<50x128xi32, #tpu.memory_space<vmem>> -> memref<1x128xi32, #tpu.memory_space<vmem>>
      %dma_wait3A_859 = tpu.memref_squeeze %dma_wait3A_858 : memref<1x128xi32, #tpu.memory_space<vmem>> -> memref<128xi32, #tpu.memory_space<vmem>>
      %dma_wait3A_860 = arith.constant 0 : i32
      %dma_wait3A_861 = arith.constant 0 : i32
      %dma_wait3A_862 = tpu.memref_slice %arg5[%dma_wait3A_860, %dma_wait3A_861] : memref<1000000x128xf32, #tpu.memory_space<hbm>> -> memref<1000000x128xf32, #tpu.memory_space<hbm>>
      tpu.wait_indirect_dma semaphore(%arg27 : memref<!tpu.dma_semaphore, #tpu.memory_space<semaphore_mem>>) src(%dma_wait3A_862 : memref<1000000x128xf32, #tpu.memory_space<hbm>>) dst(%arg21 : memref<128x128xf32, #tpu.memory_space<vmem>>)
      %dma_wait3A_863 = arith.constant 0 : i32
      %dma_wait3A_864 = tpu.memref_slice %arg10[%add3A_856, %dma_wait3A_863] : memref<50x128xi32, #tpu.memory_space<vmem>> -> memref<1x128xi32, #tpu.memory_space<vmem>>
      %dma_wait3A_865 = tpu.memref_squeeze %dma_wait3A_864 : memref<1x128xi32, #tpu.memory_space<vmem>> -> memref<128xi32, #tpu.memory_space<vmem>>
      %dma_wait3A_866 = arith.constant 0 : i32
      %dma_wait3A_867 = arith.constant 0 : i32
      %dma_wait3A_868 = tpu.memref_slice %arg6[%dma_wait3A_866, %dma_wait3A_867] : memref<100000x32xf32, #tpu.memory_space<hbm>> -> memref<100000x32xf32, #tpu.memory_space<hbm>>
      tpu.wait_indirect_dma semaphore(%arg27 : memref<!tpu.dma_semaphore, #tpu.memory_space<semaphore_mem>>) src(%dma_wait3A_868 : memref<100000x32xf32, #tpu.memory_space<hbm>>) dst(%arg22 : memref<128x32xf32, #tpu.memory_space<vmem>>)
      %dma_wait3A_869 = arith.constant 0 : i32
      %dma_wait3A_870 = tpu.memref_slice %arg11[%add3A_856, %dma_wait3A_869] : memref<50x128xi32, #tpu.memory_space<vmem>> -> memref<1x128xi32, #tpu.memory_space<vmem>>
      %dma_wait3A_871 = tpu.memref_squeeze %dma_wait3A_870 : memref<1x128xi32, #tpu.memory_space<vmem>> -> memref<128xi32, #tpu.memory_space<vmem>>
      %dma_wait3A_872 = arith.constant 0 : i32
      %dma_wait3A_873 = arith.constant 0 : i32
      %dma_wait3A_874 = tpu.memref_slice %arg7[%dma_wait3A_872, %dma_wait3A_873] : memref<100000x32xf32, #tpu.memory_space<hbm>> -> memref<100000x32xf32, #tpu.memory_space<hbm>>
      tpu.wait_indirect_dma semaphore(%arg27 : memref<!tpu.dma_semaphore, #tpu.memory_space<semaphore_mem>>) src(%dma_wait3A_874 : memref<100000x32xf32, #tpu.memory_space<hbm>>) dst(%arg23 : memref<128x32xf32, #tpu.memory_space<vmem>>)
      %dma_start3A_875 = arith.constant 0 : i32
      %dma_start3A_876 = arith.constant 0 : i32
      %dma_start3A_877 = tpu.memref_slice %arg21[%dma_start3A_875, %dma_start3A_876] : memref<128x128xf32, #tpu.memory_space<vmem>> -> memref<128x64xf32, #tpu.memory_space<vmem>>
      %dma_start3A_878 = arith.constant 0 : i32
      %dma_start3A_879 = tpu.memref_slice %arg8[%add3A_856, %mul3A_2, %dma_start3A_878] : memref<50x4096x128xf32, #tpu.memory_space<hbm>> -> memref<1x128x64xf32, #tpu.memory_space<hbm>>
      %dma_start3A_880 = tpu.memref_squeeze %dma_start3A_879 : memref<1x128x64xf32, #tpu.memory_space<hbm>> -> memref<128x64xf32, #tpu.memory_space<hbm>>
      %dma_start3A_881 = arith.constant 0 : i32
      %dma_start3A_882 = tpu.memref_slice %arg8[%add3A_856, %mul3A_2, %dma_start3A_881] : memref<50x4096x128xf32, #tpu.memory_space<hbm>> -> memref<1x128x64xf32, #tpu.memory_space<hbm>>
      %dma_start3A_883 = tpu.memref_squeeze %dma_start3A_882 : memref<1x128x64xf32, #tpu.memory_space<hbm>> -> memref<128x64xf32, #tpu.memory_space<hbm>>
      %dma_start3A_884 = arith.constant 0 : i32
      %dma_start3A_885 = arith.constant 0 : i32
      %dma_start3A_886 = tpu.memref_slice %arg21[%dma_start3A_884, %dma_start3A_885] : memref<128x128xf32, #tpu.memory_space<vmem>> -> memref<128x64xf32, #tpu.memory_space<vmem>>
      tpu.enqueue_dma source(%dma_start3A_886 : memref<128x64xf32, #tpu.memory_space<vmem>>) target(%dma_start3A_883 : memref<128x64xf32, #tpu.memory_space<hbm>>) target_semaphore(%arg31 : memref<!tpu.dma_semaphore, #tpu.memory_space<semaphore_mem>>)
      %dma_start3A_887 = arith.constant 64 : i32
      %dma_start3A_888 = tpu.memref_slice %arg8[%add3A_856, %mul3A_2, %dma_start3A_887] : memref<50x4096x128xf32, #tpu.memory_space<hbm>> -> memref<1x128x32xf32, #tpu.memory_space<hbm>>
      %dma_start3A_889 = tpu.memref_squeeze %dma_start3A_888 : memref<1x128x32xf32, #tpu.memory_space<hbm>> -> memref<128x32xf32, #tpu.memory_space<hbm>>
      %dma_start3A_890 = arith.constant 64 : i32
      %dma_start3A_891 = tpu.memref_slice %arg8[%add3A_856, %mul3A_2, %dma_start3A_890] : memref<50x4096x128xf32, #tpu.memory_space<hbm>> -> memref<1x128x32xf32, #tpu.memory_space<hbm>>
      %dma_start3A_892 = tpu.memref_squeeze %dma_start3A_891 : memref<1x128x32xf32, #tpu.memory_space<hbm>> -> memref<128x32xf32, #tpu.memory_space<hbm>>
      tpu.enqueue_dma source(%arg22 : memref<128x32xf32, #tpu.memory_space<vmem>>) target(%dma_start3A_892 : memref<128x32xf32, #tpu.memory_space<hbm>>) target_semaphore(%arg31 : memref<!tpu.dma_semaphore, #tpu.memory_space<semaphore_mem>>)
      %dma_start3A_893 = arith.constant 96 : i32
      %dma_start3A_894 = tpu.memref_slice %arg8[%add3A_856, %mul3A_2, %dma_start3A_893] : memref<50x4096x128xf32, #tpu.memory_space<hbm>> -> memref<1x128x32xf32, #tpu.memory_space<hbm>>
      %dma_start3A_895 = tpu.memref_squeeze %dma_start3A_894 : memref<1x128x32xf32, #tpu.memory_space<hbm>> -> memref<128x32xf32, #tpu.memory_space<hbm>>
      %dma_start3A_896 = arith.constant 96 : i32
      %dma_start3A_897 = tpu.memref_slice %arg8[%add3A_856, %mul3A_2, %dma_start3A_896] : memref<50x4096x128xf32, #tpu.memory_space<hbm>> -> memref<1x128x32xf32, #tpu.memory_space<hbm>>
      %dma_start3A_898 = tpu.memref_squeeze %dma_start3A_897 : memref<1x128x32xf32, #tpu.memory_space<hbm>> -> memref<128x32xf32, #tpu.memory_space<hbm>>
      tpu.enqueue_dma source(%arg23 : memref<128x32xf32, #tpu.memory_space<vmem>>) target(%dma_start3A_898 : memref<128x32xf32, #tpu.memory_space<hbm>>) target_semaphore(%arg31 : memref<!tpu.dma_semaphore, #tpu.memory_space<semaphore_mem>>)
      %dma_wait3A_899 = arith.constant 0 : i32
      %dma_wait3A_900 = arith.constant 0 : i32
      %dma_wait3A_901 = tpu.memref_slice %arg21[%dma_wait3A_899, %dma_wait3A_900] : memref<128x128xf32, #tpu.memory_space<vmem>> -> memref<128x64xf32, #tpu.memory_space<vmem>>
      %dma_wait3A_902 = arith.constant 0 : i32
      %dma_wait3A_903 = tpu.memref_slice %arg8[%add3A_856, %mul3A_2, %dma_wait3A_902] : memref<50x4096x128xf32, #tpu.memory_space<hbm>> -> memref<1x128x64xf32, #tpu.memory_space<hbm>>
      %dma_wait3A_904 = tpu.memref_squeeze %dma_wait3A_903 : memref<1x128x64xf32, #tpu.memory_space<hbm>> -> memref<128x64xf32, #tpu.memory_space<hbm>>
      %dma_wait3A_905 = arith.constant 0 : i32
      %dma_wait3A_906 = tpu.memref_slice %arg8[%add3A_856, %mul3A_2, %dma_wait3A_905] : memref<50x4096x128xf32, #tpu.memory_space<hbm>> -> memref<1x128x64xf32, #tpu.memory_space<hbm>>
      %dma_wait3A_907 = tpu.memref_squeeze %dma_wait3A_906 : memref<1x128x64xf32, #tpu.memory_space<hbm>> -> memref<128x64xf32, #tpu.memory_space<hbm>>
      %dma_wait3A_908 = arith.constant 0 : i32
      %dma_wait3A_909 = arith.constant 0 : i32
      %dma_wait3A_910 = tpu.memref_slice %arg21[%dma_wait3A_908, %dma_wait3A_909] : memref<128x128xf32, #tpu.memory_space<vmem>> -> memref<128x64xf32, #tpu.memory_space<vmem>>
      tpu.wait_dma2 semaphore(%arg31 : memref<!tpu.dma_semaphore, #tpu.memory_space<semaphore_mem>>) src(%dma_wait3A_910 : memref<128x64xf32, #tpu.memory_space<vmem>>) dst(%dma_wait3A_907 : memref<128x64xf32, #tpu.memory_space<hbm>>)
      %dma_wait3A_911 = arith.constant 64 : i32
      %dma_wait3A_912 = tpu.memref_slice %arg8[%add3A_856, %mul3A_2, %dma_wait3A_911] : memref<50x4096x128xf32, #tpu.memory_space<hbm>> -> memref<1x128x32xf32, #tpu.memory_space<hbm>>
      %dma_wait3A_913 = tpu.memref_squeeze %dma_wait3A_912 : memref<1x128x32xf32, #tpu.memory_space<hbm>> -> memref<128x32xf32, #tpu.memory_space<hbm>>
      %dma_wait3A_914 = arith.constant 64 : i32
      %dma_wait3A_915 = tpu.memref_slice %arg8[%add3A_856, %mul3A_2, %dma_wait3A_914] : memref<50x4096x128xf32, #tpu.memory_space<hbm>> -> memref<1x128x32xf32, #tpu.memory_space<hbm>>
      %dma_wait3A_916 = tpu.memref_squeeze %dma_wait3A_915 : memref<1x128x32xf32, #tpu.memory_space<hbm>> -> memref<128x32xf32, #tpu.memory_space<hbm>>
      tpu.wait_dma2 semaphore(%arg31 : memref<!tpu.dma_semaphore, #tpu.memory_space<semaphore_mem>>) src(%arg22 : memref<128x32xf32, #tpu.memory_space<vmem>>) dst(%dma_wait3A_916 : memref<128x32xf32, #tpu.memory_space<hbm>>)
      %dma_wait3A_917 = arith.constant 96 : i32
      %dma_wait3A_918 = tpu.memref_slice %arg8[%add3A_856, %mul3A_2, %dma_wait3A_917] : memref<50x4096x128xf32, #tpu.memory_space<hbm>> -> memref<1x128x32xf32, #tpu.memory_space<hbm>>
      %dma_wait3A_919 = tpu.memref_squeeze %dma_wait3A_918 : memref<1x128x32xf32, #tpu.memory_space<hbm>> -> memref<128x32xf32, #tpu.memory_space<hbm>>
      %dma_wait3A_920 = arith.constant 96 : i32
      %dma_wait3A_921 = tpu.memref_slice %arg8[%add3A_856, %mul3A_2, %dma_wait3A_920] : memref<50x4096x128xf32, #tpu.memory_space<hbm>> -> memref<1x128x32xf32, #tpu.memory_space<hbm>>
      %dma_wait3A_922 = tpu.memref_squeeze %dma_wait3A_921 : memref<1x128x32xf32, #tpu.memory_space<hbm>> -> memref<128x32xf32, #tpu.memory_space<hbm>>
      tpu.wait_dma2 semaphore(%arg31 : memref<!tpu.dma_semaphore, #tpu.memory_space<semaphore_mem>>) src(%arg23 : memref<128x32xf32, #tpu.memory_space<vmem>>) dst(%dma_wait3A_922 : memref<128x32xf32, #tpu.memory_space<hbm>>)
      %add3A_923 = arith.constant 4 : i32
      %add3A_924 = arith.addi %add3A_856, %add3A_923 : i32
      %dma_start3A_925 = arith.constant 0 : i32
      %dma_start3A_926 = tpu.memref_slice %arg9[%add3A_924, %dma_start3A_925] : memref<50x128xi32, #tpu.memory_space<vmem>> -> memref<1x128xi32, #tpu.memory_space<vmem>>
      %dma_start3A_927 = tpu.memref_squeeze %dma_start3A_926 : memref<1x128xi32, #tpu.memory_space<vmem>> -> memref<128xi32, #tpu.memory_space<vmem>>
      %dma_start3A_928 = arith.constant 0 : i32
      %dma_start3A_929 = arith.constant 0 : i32
      %dma_start3A_930 = tpu.memref_slice %arg5[%dma_start3A_928, %dma_start3A_929] : memref<1000000x128xf32, #tpu.memory_space<hbm>> -> memref<1000000x128xf32, #tpu.memory_space<hbm>>
      tpu.enqueue_indirect_dma source(%dma_start3A_930 : memref<1000000x128xf32, #tpu.memory_space<hbm>>) target(%arg21 : memref<128x128xf32, #tpu.memory_space<vmem>>) offsets(%dma_start3A_927 : memref<128xi32, #tpu.memory_space<vmem>>) semaphore(%arg27 : memref<!tpu.dma_semaphore, #tpu.memory_space<semaphore_mem>>)
      %dma_start3A_931 = arith.constant 0 : i32
      %dma_start3A_932 = tpu.memref_slice %arg10[%add3A_924, %dma_start3A_931] : memref<50x128xi32, #tpu.memory_space<vmem>> -> memref<1x128xi32, #tpu.memory_space<vmem>>
      %dma_start3A_933 = tpu.memref_squeeze %dma_start3A_932 : memref<1x128xi32, #tpu.memory_space<vmem>> -> memref<128xi32, #tpu.memory_space<vmem>>
      %dma_start3A_934 = arith.constant 0 : i32
      %dma_start3A_935 = arith.constant 0 : i32
      %dma_start3A_936 = tpu.memref_slice %arg6[%dma_start3A_934, %dma_start3A_935] : memref<100000x32xf32, #tpu.memory_space<hbm>> -> memref<100000x32xf32, #tpu.memory_space<hbm>>
      tpu.enqueue_indirect_dma source(%dma_start3A_936 : memref<100000x32xf32, #tpu.memory_space<hbm>>) target(%arg22 : memref<128x32xf32, #tpu.memory_space<vmem>>) offsets(%dma_start3A_933 : memref<128xi32, #tpu.memory_space<vmem>>) semaphore(%arg27 : memref<!tpu.dma_semaphore, #tpu.memory_space<semaphore_mem>>)
      %dma_start3A_937 = arith.constant 0 : i32
      %dma_start3A_938 = tpu.memref_slice %arg11[%add3A_924, %dma_start3A_937] : memref<50x128xi32, #tpu.memory_space<vmem>> -> memref<1x128xi32, #tpu.memory_space<vmem>>
      %dma_start3A_939 = tpu.memref_squeeze %dma_start3A_938 : memref<1x128xi32, #tpu.memory_space<vmem>> -> memref<128xi32, #tpu.memory_space<vmem>>
      %dma_start3A_940 = arith.constant 0 : i32
      %dma_start3A_941 = arith.constant 0 : i32
      %dma_start3A_942 = tpu.memref_slice %arg7[%dma_start3A_940, %dma_start3A_941] : memref<100000x32xf32, #tpu.memory_space<hbm>> -> memref<100000x32xf32, #tpu.memory_space<hbm>>
      tpu.enqueue_indirect_dma source(%dma_start3A_942 : memref<100000x32xf32, #tpu.memory_space<hbm>>) target(%arg23 : memref<128x32xf32, #tpu.memory_space<vmem>>) offsets(%dma_start3A_939 : memref<128xi32, #tpu.memory_space<vmem>>) semaphore(%arg27 : memref<!tpu.dma_semaphore, #tpu.memory_space<semaphore_mem>>)
    }
    %scan3A_90 = arith.constant 11 : i32
    %dma_wait3A = arith.constant 44 : i32
    %dma_wait3A_91 = arith.constant 0 : i32
    %dma_wait3A_92 = tpu.memref_slice %arg9[%dma_wait3A, %dma_wait3A_91] : memref<50x128xi32, #tpu.memory_space<vmem>> -> memref<1x128xi32, #tpu.memory_space<vmem>>
    %dma_wait3A_93 = tpu.memref_squeeze %dma_wait3A_92 : memref<1x128xi32, #tpu.memory_space<vmem>> -> memref<128xi32, #tpu.memory_space<vmem>>
    %dma_wait3A_94 = arith.constant 0 : i32
    %dma_wait3A_95 = arith.constant 0 : i32
    %dma_wait3A_96 = tpu.memref_slice %arg5[%dma_wait3A_94, %dma_wait3A_95] : memref<1000000x128xf32, #tpu.memory_space<hbm>> -> memref<1000000x128xf32, #tpu.memory_space<hbm>>
    tpu.wait_indirect_dma semaphore(%arg24 : memref<!tpu.dma_semaphore, #tpu.memory_space<semaphore_mem>>) src(%dma_wait3A_96 : memref<1000000x128xf32, #tpu.memory_space<hbm>>) dst(%arg12 : memref<128x128xf32, #tpu.memory_space<vmem>>)
    %dma_wait3A_97 = arith.constant 44 : i32
    %dma_wait3A_98 = arith.constant 0 : i32
    %dma_wait3A_99 = tpu.memref_slice %arg10[%dma_wait3A_97, %dma_wait3A_98] : memref<50x128xi32, #tpu.memory_space<vmem>> -> memref<1x128xi32, #tpu.memory_space<vmem>>
    %dma_wait3A_100 = tpu.memref_squeeze %dma_wait3A_99 : memref<1x128xi32, #tpu.memory_space<vmem>> -> memref<128xi32, #tpu.memory_space<vmem>>
    %dma_wait3A_101 = arith.constant 0 : i32
    %dma_wait3A_102 = arith.constant 0 : i32
    %dma_wait3A_103 = tpu.memref_slice %arg6[%dma_wait3A_101, %dma_wait3A_102] : memref<100000x32xf32, #tpu.memory_space<hbm>> -> memref<100000x32xf32, #tpu.memory_space<hbm>>
    tpu.wait_indirect_dma semaphore(%arg24 : memref<!tpu.dma_semaphore, #tpu.memory_space<semaphore_mem>>) src(%dma_wait3A_103 : memref<100000x32xf32, #tpu.memory_space<hbm>>) dst(%arg13 : memref<128x32xf32, #tpu.memory_space<vmem>>)
    %dma_wait3A_104 = arith.constant 44 : i32
    %dma_wait3A_105 = arith.constant 0 : i32
    %dma_wait3A_106 = tpu.memref_slice %arg11[%dma_wait3A_104, %dma_wait3A_105] : memref<50x128xi32, #tpu.memory_space<vmem>> -> memref<1x128xi32, #tpu.memory_space<vmem>>
    %dma_wait3A_107 = tpu.memref_squeeze %dma_wait3A_106 : memref<1x128xi32, #tpu.memory_space<vmem>> -> memref<128xi32, #tpu.memory_space<vmem>>
    %dma_wait3A_108 = arith.constant 0 : i32
    %dma_wait3A_109 = arith.constant 0 : i32
    %dma_wait3A_110 = tpu.memref_slice %arg7[%dma_wait3A_108, %dma_wait3A_109] : memref<100000x32xf32, #tpu.memory_space<hbm>> -> memref<100000x32xf32, #tpu.memory_space<hbm>>
    tpu.wait_indirect_dma semaphore(%arg24 : memref<!tpu.dma_semaphore, #tpu.memory_space<semaphore_mem>>) src(%dma_wait3A_110 : memref<100000x32xf32, #tpu.memory_space<hbm>>) dst(%arg14 : memref<128x32xf32, #tpu.memory_space<vmem>>)
    %dma_start3A_111 = arith.constant 44 : i32
    %dma_start3A_112 = arith.constant 0 : i32
    %dma_start3A_113 = arith.constant 0 : i32
    %dma_start3A_114 = tpu.memref_slice %arg12[%dma_start3A_112, %dma_start3A_113] : memref<128x128xf32, #tpu.memory_space<vmem>> -> memref<128x64xf32, #tpu.memory_space<vmem>>
    %dma_start3A_115 = arith.constant 0 : i32
    %dma_start3A_116 = tpu.memref_slice %arg8[%dma_start3A_111, %mul3A_2, %dma_start3A_115] : memref<50x4096x128xf32, #tpu.memory_space<hbm>> -> memref<1x128x64xf32, #tpu.memory_space<hbm>>
    %dma_start3A_117 = tpu.memref_squeeze %dma_start3A_116 : memref<1x128x64xf32, #tpu.memory_space<hbm>> -> memref<128x64xf32, #tpu.memory_space<hbm>>
    %dma_start3A_118 = arith.constant 0 : i32
    %dma_start3A_119 = tpu.memref_slice %arg8[%dma_start3A_111, %mul3A_2, %dma_start3A_118] : memref<50x4096x128xf32, #tpu.memory_space<hbm>> -> memref<1x128x64xf32, #tpu.memory_space<hbm>>
    %dma_start3A_120 = tpu.memref_squeeze %dma_start3A_119 : memref<1x128x64xf32, #tpu.memory_space<hbm>> -> memref<128x64xf32, #tpu.memory_space<hbm>>
    %dma_start3A_121 = arith.constant 0 : i32
    %dma_start3A_122 = arith.constant 0 : i32
    %dma_start3A_123 = tpu.memref_slice %arg12[%dma_start3A_121, %dma_start3A_122] : memref<128x128xf32, #tpu.memory_space<vmem>> -> memref<128x64xf32, #tpu.memory_space<vmem>>
    tpu.enqueue_dma source(%dma_start3A_123 : memref<128x64xf32, #tpu.memory_space<vmem>>) target(%dma_start3A_120 : memref<128x64xf32, #tpu.memory_space<hbm>>) target_semaphore(%arg28 : memref<!tpu.dma_semaphore, #tpu.memory_space<semaphore_mem>>)
    %dma_start3A_124 = arith.constant 44 : i32
    %dma_start3A_125 = arith.constant 64 : i32
    %dma_start3A_126 = tpu.memref_slice %arg8[%dma_start3A_124, %mul3A_2, %dma_start3A_125] : memref<50x4096x128xf32, #tpu.memory_space<hbm>> -> memref<1x128x32xf32, #tpu.memory_space<hbm>>
    %dma_start3A_127 = tpu.memref_squeeze %dma_start3A_126 : memref<1x128x32xf32, #tpu.memory_space<hbm>> -> memref<128x32xf32, #tpu.memory_space<hbm>>
    %dma_start3A_128 = arith.constant 64 : i32
    %dma_start3A_129 = tpu.memref_slice %arg8[%dma_start3A_124, %mul3A_2, %dma_start3A_128] : memref<50x4096x128xf32, #tpu.memory_space<hbm>> -> memref<1x128x32xf32, #tpu.memory_space<hbm>>
    %dma_start3A_130 = tpu.memref_squeeze %dma_start3A_129 : memref<1x128x32xf32, #tpu.memory_space<hbm>> -> memref<128x32xf32, #tpu.memory_space<hbm>>
    tpu.enqueue_dma source(%arg13 : memref<128x32xf32, #tpu.memory_space<vmem>>) target(%dma_start3A_130 : memref<128x32xf32, #tpu.memory_space<hbm>>) target_semaphore(%arg28 : memref<!tpu.dma_semaphore, #tpu.memory_space<semaphore_mem>>)
    %dma_start3A_131 = arith.constant 44 : i32
    %dma_start3A_132 = arith.constant 96 : i32
    %dma_start3A_133 = tpu.memref_slice %arg8[%dma_start3A_131, %mul3A_2, %dma_start3A_132] : memref<50x4096x128xf32, #tpu.memory_space<hbm>> -> memref<1x128x32xf32, #tpu.memory_space<hbm>>
    %dma_start3A_134 = tpu.memref_squeeze %dma_start3A_133 : memref<1x128x32xf32, #tpu.memory_space<hbm>> -> memref<128x32xf32, #tpu.memory_space<hbm>>
    %dma_start3A_135 = arith.constant 96 : i32
    %dma_start3A_136 = tpu.memref_slice %arg8[%dma_start3A_131, %mul3A_2, %dma_start3A_135] : memref<50x4096x128xf32, #tpu.memory_space<hbm>> -> memref<1x128x32xf32, #tpu.memory_space<hbm>>
    %dma_start3A_137 = tpu.memref_squeeze %dma_start3A_136 : memref<1x128x32xf32, #tpu.memory_space<hbm>> -> memref<128x32xf32, #tpu.memory_space<hbm>>
    tpu.enqueue_dma source(%arg14 : memref<128x32xf32, #tpu.memory_space<vmem>>) target(%dma_start3A_137 : memref<128x32xf32, #tpu.memory_space<hbm>>) target_semaphore(%arg28 : memref<!tpu.dma_semaphore, #tpu.memory_space<semaphore_mem>>)
    %dma_wait3A_138 = arith.constant 44 : i32
    %dma_wait3A_139 = arith.constant 0 : i32
    %dma_wait3A_140 = arith.constant 0 : i32
    %dma_wait3A_141 = tpu.memref_slice %arg12[%dma_wait3A_139, %dma_wait3A_140] : memref<128x128xf32, #tpu.memory_space<vmem>> -> memref<128x64xf32, #tpu.memory_space<vmem>>
    %dma_wait3A_142 = arith.constant 0 : i32
    %dma_wait3A_143 = tpu.memref_slice %arg8[%dma_wait3A_138, %mul3A_2, %dma_wait3A_142] : memref<50x4096x128xf32, #tpu.memory_space<hbm>> -> memref<1x128x64xf32, #tpu.memory_space<hbm>>
    %dma_wait3A_144 = tpu.memref_squeeze %dma_wait3A_143 : memref<1x128x64xf32, #tpu.memory_space<hbm>> -> memref<128x64xf32, #tpu.memory_space<hbm>>
    %dma_wait3A_145 = arith.constant 0 : i32
    %dma_wait3A_146 = tpu.memref_slice %arg8[%dma_wait3A_138, %mul3A_2, %dma_wait3A_145] : memref<50x4096x128xf32, #tpu.memory_space<hbm>> -> memref<1x128x64xf32, #tpu.memory_space<hbm>>
    %dma_wait3A_147 = tpu.memref_squeeze %dma_wait3A_146 : memref<1x128x64xf32, #tpu.memory_space<hbm>> -> memref<128x64xf32, #tpu.memory_space<hbm>>
    %dma_wait3A_148 = arith.constant 0 : i32
    %dma_wait3A_149 = arith.constant 0 : i32
    %dma_wait3A_150 = tpu.memref_slice %arg12[%dma_wait3A_148, %dma_wait3A_149] : memref<128x128xf32, #tpu.memory_space<vmem>> -> memref<128x64xf32, #tpu.memory_space<vmem>>
    tpu.wait_dma2 semaphore(%arg28 : memref<!tpu.dma_semaphore, #tpu.memory_space<semaphore_mem>>) src(%dma_wait3A_150 : memref<128x64xf32, #tpu.memory_space<vmem>>) dst(%dma_wait3A_147 : memref<128x64xf32, #tpu.memory_space<hbm>>)
    %dma_wait3A_151 = arith.constant 44 : i32
    %dma_wait3A_152 = arith.constant 64 : i32
    %dma_wait3A_153 = tpu.memref_slice %arg8[%dma_wait3A_151, %mul3A_2, %dma_wait3A_152] : memref<50x4096x128xf32, #tpu.memory_space<hbm>> -> memref<1x128x32xf32, #tpu.memory_space<hbm>>
    %dma_wait3A_154 = tpu.memref_squeeze %dma_wait3A_153 : memref<1x128x32xf32, #tpu.memory_space<hbm>> -> memref<128x32xf32, #tpu.memory_space<hbm>>
    %dma_wait3A_155 = arith.constant 64 : i32
    %dma_wait3A_156 = tpu.memref_slice %arg8[%dma_wait3A_151, %mul3A_2, %dma_wait3A_155] : memref<50x4096x128xf32, #tpu.memory_space<hbm>> -> memref<1x128x32xf32, #tpu.memory_space<hbm>>
    %dma_wait3A_157 = tpu.memref_squeeze %dma_wait3A_156 : memref<1x128x32xf32, #tpu.memory_space<hbm>> -> memref<128x32xf32, #tpu.memory_space<hbm>>
    tpu.wait_dma2 semaphore(%arg28 : memref<!tpu.dma_semaphore, #tpu.memory_space<semaphore_mem>>) src(%arg13 : memref<128x32xf32, #tpu.memory_space<vmem>>) dst(%dma_wait3A_157 : memref<128x32xf32, #tpu.memory_space<hbm>>)
    %dma_wait3A_158 = arith.constant 44 : i32
    %dma_wait3A_159 = arith.constant 96 : i32
    %dma_wait3A_160 = tpu.memref_slice %arg8[%dma_wait3A_158, %mul3A_2, %dma_wait3A_159] : memref<50x4096x128xf32, #tpu.memory_space<hbm>> -> memref<1x128x32xf32, #tpu.memory_space<hbm>>
    %dma_wait3A_161 = tpu.memref_squeeze %dma_wait3A_160 : memref<1x128x32xf32, #tpu.memory_space<hbm>> -> memref<128x32xf32, #tpu.memory_space<hbm>>
    %dma_wait3A_162 = arith.constant 96 : i32
    %dma_wait3A_163 = tpu.memref_slice %arg8[%dma_wait3A_158, %mul3A_2, %dma_wait3A_162] : memref<50x4096x128xf32, #tpu.memory_space<hbm>> -> memref<1x128x32xf32, #tpu.memory_space<hbm>>
    %dma_wait3A_164 = tpu.memref_squeeze %dma_wait3A_163 : memref<1x128x32xf32, #tpu.memory_space<hbm>> -> memref<128x32xf32, #tpu.memory_space<hbm>>
    tpu.wait_dma2 semaphore(%arg28 : memref<!tpu.dma_semaphore, #tpu.memory_space<semaphore_mem>>) src(%arg14 : memref<128x32xf32, #tpu.memory_space<vmem>>) dst(%dma_wait3A_164 : memref<128x32xf32, #tpu.memory_space<hbm>>)
    %dma_start3A_165 = arith.constant 48 : i32
    %dma_start3A_166 = arith.constant 0 : i32
    %dma_start3A_167 = tpu.memref_slice %arg9[%dma_start3A_165, %dma_start3A_166] : memref<50x128xi32, #tpu.memory_space<vmem>> -> memref<1x128xi32, #tpu.memory_space<vmem>>
    %dma_start3A_168 = tpu.memref_squeeze %dma_start3A_167 : memref<1x128xi32, #tpu.memory_space<vmem>> -> memref<128xi32, #tpu.memory_space<vmem>>
    %dma_start3A_169 = arith.constant 0 : i32
    %dma_start3A_170 = arith.constant 0 : i32
    %dma_start3A_171 = tpu.memref_slice %arg5[%dma_start3A_169, %dma_start3A_170] : memref<1000000x128xf32, #tpu.memory_space<hbm>> -> memref<1000000x128xf32, #tpu.memory_space<hbm>>
    tpu.enqueue_indirect_dma source(%dma_start3A_171 : memref<1000000x128xf32, #tpu.memory_space<hbm>>) target(%arg12 : memref<128x128xf32, #tpu.memory_space<vmem>>) offsets(%dma_start3A_168 : memref<128xi32, #tpu.memory_space<vmem>>) semaphore(%arg24 : memref<!tpu.dma_semaphore, #tpu.memory_space<semaphore_mem>>)
    %dma_start3A_172 = arith.constant 48 : i32
    %dma_start3A_173 = arith.constant 0 : i32
    %dma_start3A_174 = tpu.memref_slice %arg10[%dma_start3A_172, %dma_start3A_173] : memref<50x128xi32, #tpu.memory_space<vmem>> -> memref<1x128xi32, #tpu.memory_space<vmem>>
    %dma_start3A_175 = tpu.memref_squeeze %dma_start3A_174 : memref<1x128xi32, #tpu.memory_space<vmem>> -> memref<128xi32, #tpu.memory_space<vmem>>
    %dma_start3A_176 = arith.constant 0 : i32
    %dma_start3A_177 = arith.constant 0 : i32
    %dma_start3A_178 = tpu.memref_slice %arg6[%dma_start3A_176, %dma_start3A_177] : memref<100000x32xf32, #tpu.memory_space<hbm>> -> memref<100000x32xf32, #tpu.memory_space<hbm>>
    tpu.enqueue_indirect_dma source(%dma_start3A_178 : memref<100000x32xf32, #tpu.memory_space<hbm>>) target(%arg13 : memref<128x32xf32, #tpu.memory_space<vmem>>) offsets(%dma_start3A_175 : memref<128xi32, #tpu.memory_space<vmem>>) semaphore(%arg24 : memref<!tpu.dma_semaphore, #tpu.memory_space<semaphore_mem>>)
    %dma_start3A_179 = arith.constant 48 : i32
    %dma_start3A_180 = arith.constant 0 : i32
    %dma_start3A_181 = tpu.memref_slice %arg11[%dma_start3A_179, %dma_start3A_180] : memref<50x128xi32, #tpu.memory_space<vmem>> -> memref<1x128xi32, #tpu.memory_space<vmem>>
    %dma_start3A_182 = tpu.memref_squeeze %dma_start3A_181 : memref<1x128xi32, #tpu.memory_space<vmem>> -> memref<128xi32, #tpu.memory_space<vmem>>
    %dma_start3A_183 = arith.constant 0 : i32
    %dma_start3A_184 = arith.constant 0 : i32
    %dma_start3A_185 = tpu.memref_slice %arg7[%dma_start3A_183, %dma_start3A_184] : memref<100000x32xf32, #tpu.memory_space<hbm>> -> memref<100000x32xf32, #tpu.memory_space<hbm>>
    tpu.enqueue_indirect_dma source(%dma_start3A_185 : memref<100000x32xf32, #tpu.memory_space<hbm>>) target(%arg14 : memref<128x32xf32, #tpu.memory_space<vmem>>) offsets(%dma_start3A_182 : memref<128xi32, #tpu.memory_space<vmem>>) semaphore(%arg24 : memref<!tpu.dma_semaphore, #tpu.memory_space<semaphore_mem>>)
    %dma_wait3A_186 = arith.constant 45 : i32
    %dma_wait3A_187 = arith.constant 0 : i32
    %dma_wait3A_188 = tpu.memref_slice %arg9[%dma_wait3A_186, %dma_wait3A_187] : memref<50x128xi32, #tpu.memory_space<vmem>> -> memref<1x128xi32, #tpu.memory_space<vmem>>
    %dma_wait3A_189 = tpu.memref_squeeze %dma_wait3A_188 : memref<1x128xi32, #tpu.memory_space<vmem>> -> memref<128xi32, #tpu.memory_space<vmem>>
    %dma_wait3A_190 = arith.constant 0 : i32
    %dma_wait3A_191 = arith.constant 0 : i32
    %dma_wait3A_192 = tpu.memref_slice %arg5[%dma_wait3A_190, %dma_wait3A_191] : memref<1000000x128xf32, #tpu.memory_space<hbm>> -> memref<1000000x128xf32, #tpu.memory_space<hbm>>
    tpu.wait_indirect_dma semaphore(%arg25 : memref<!tpu.dma_semaphore, #tpu.memory_space<semaphore_mem>>) src(%dma_wait3A_192 : memref<1000000x128xf32, #tpu.memory_space<hbm>>) dst(%arg15 : memref<128x128xf32, #tpu.memory_space<vmem>>)
    %dma_wait3A_193 = arith.constant 45 : i32
    %dma_wait3A_194 = arith.constant 0 : i32
    %dma_wait3A_195 = tpu.memref_slice %arg10[%dma_wait3A_193, %dma_wait3A_194] : memref<50x128xi32, #tpu.memory_space<vmem>> -> memref<1x128xi32, #tpu.memory_space<vmem>>
    %dma_wait3A_196 = tpu.memref_squeeze %dma_wait3A_195 : memref<1x128xi32, #tpu.memory_space<vmem>> -> memref<128xi32, #tpu.memory_space<vmem>>
    %dma_wait3A_197 = arith.constant 0 : i32
    %dma_wait3A_198 = arith.constant 0 : i32
    %dma_wait3A_199 = tpu.memref_slice %arg6[%dma_wait3A_197, %dma_wait3A_198] : memref<100000x32xf32, #tpu.memory_space<hbm>> -> memref<100000x32xf32, #tpu.memory_space<hbm>>
    tpu.wait_indirect_dma semaphore(%arg25 : memref<!tpu.dma_semaphore, #tpu.memory_space<semaphore_mem>>) src(%dma_wait3A_199 : memref<100000x32xf32, #tpu.memory_space<hbm>>) dst(%arg16 : memref<128x32xf32, #tpu.memory_space<vmem>>)
    %dma_wait3A_200 = arith.constant 45 : i32
    %dma_wait3A_201 = arith.constant 0 : i32
    %dma_wait3A_202 = tpu.memref_slice %arg11[%dma_wait3A_200, %dma_wait3A_201] : memref<50x128xi32, #tpu.memory_space<vmem>> -> memref<1x128xi32, #tpu.memory_space<vmem>>
    %dma_wait3A_203 = tpu.memref_squeeze %dma_wait3A_202 : memref<1x128xi32, #tpu.memory_space<vmem>> -> memref<128xi32, #tpu.memory_space<vmem>>
    %dma_wait3A_204 = arith.constant 0 : i32
    %dma_wait3A_205 = arith.constant 0 : i32
    %dma_wait3A_206 = tpu.memref_slice %arg7[%dma_wait3A_204, %dma_wait3A_205] : memref<100000x32xf32, #tpu.memory_space<hbm>> -> memref<100000x32xf32, #tpu.memory_space<hbm>>
    tpu.wait_indirect_dma semaphore(%arg25 : memref<!tpu.dma_semaphore, #tpu.memory_space<semaphore_mem>>) src(%dma_wait3A_206 : memref<100000x32xf32, #tpu.memory_space<hbm>>) dst(%arg17 : memref<128x32xf32, #tpu.memory_space<vmem>>)
    %dma_start3A_207 = arith.constant 45 : i32
    %dma_start3A_208 = arith.constant 0 : i32
    %dma_start3A_209 = arith.constant 0 : i32
    %dma_start3A_210 = tpu.memref_slice %arg15[%dma_start3A_208, %dma_start3A_209] : memref<128x128xf32, #tpu.memory_space<vmem>> -> memref<128x64xf32, #tpu.memory_space<vmem>>
    %dma_start3A_211 = arith.constant 0 : i32
    %dma_start3A_212 = tpu.memref_slice %arg8[%dma_start3A_207, %mul3A_2, %dma_start3A_211] : memref<50x4096x128xf32, #tpu.memory_space<hbm>> -> memref<1x128x64xf32, #tpu.memory_space<hbm>>
    %dma_start3A_213 = tpu.memref_squeeze %dma_start3A_212 : memref<1x128x64xf32, #tpu.memory_space<hbm>> -> memref<128x64xf32, #tpu.memory_space<hbm>>
    %dma_start3A_214 = arith.constant 0 : i32
    %dma_start3A_215 = tpu.memref_slice %arg8[%dma_start3A_207, %mul3A_2, %dma_start3A_214] : memref<50x4096x128xf32, #tpu.memory_space<hbm>> -> memref<1x128x64xf32, #tpu.memory_space<hbm>>
    %dma_start3A_216 = tpu.memref_squeeze %dma_start3A_215 : memref<1x128x64xf32, #tpu.memory_space<hbm>> -> memref<128x64xf32, #tpu.memory_space<hbm>>
    %dma_start3A_217 = arith.constant 0 : i32
    %dma_start3A_218 = arith.constant 0 : i32
    %dma_start3A_219 = tpu.memref_slice %arg15[%dma_start3A_217, %dma_start3A_218] : memref<128x128xf32, #tpu.memory_space<vmem>> -> memref<128x64xf32, #tpu.memory_space<vmem>>
    tpu.enqueue_dma source(%dma_start3A_219 : memref<128x64xf32, #tpu.memory_space<vmem>>) target(%dma_start3A_216 : memref<128x64xf32, #tpu.memory_space<hbm>>) target_semaphore(%arg29 : memref<!tpu.dma_semaphore, #tpu.memory_space<semaphore_mem>>)
    %dma_start3A_220 = arith.constant 45 : i32
    %dma_start3A_221 = arith.constant 64 : i32
    %dma_start3A_222 = tpu.memref_slice %arg8[%dma_start3A_220, %mul3A_2, %dma_start3A_221] : memref<50x4096x128xf32, #tpu.memory_space<hbm>> -> memref<1x128x32xf32, #tpu.memory_space<hbm>>
    %dma_start3A_223 = tpu.memref_squeeze %dma_start3A_222 : memref<1x128x32xf32, #tpu.memory_space<hbm>> -> memref<128x32xf32, #tpu.memory_space<hbm>>
    %dma_start3A_224 = arith.constant 64 : i32
    %dma_start3A_225 = tpu.memref_slice %arg8[%dma_start3A_220, %mul3A_2, %dma_start3A_224] : memref<50x4096x128xf32, #tpu.memory_space<hbm>> -> memref<1x128x32xf32, #tpu.memory_space<hbm>>
    %dma_start3A_226 = tpu.memref_squeeze %dma_start3A_225 : memref<1x128x32xf32, #tpu.memory_space<hbm>> -> memref<128x32xf32, #tpu.memory_space<hbm>>
    tpu.enqueue_dma source(%arg16 : memref<128x32xf32, #tpu.memory_space<vmem>>) target(%dma_start3A_226 : memref<128x32xf32, #tpu.memory_space<hbm>>) target_semaphore(%arg29 : memref<!tpu.dma_semaphore, #tpu.memory_space<semaphore_mem>>)
    %dma_start3A_227 = arith.constant 45 : i32
    %dma_start3A_228 = arith.constant 96 : i32
    %dma_start3A_229 = tpu.memref_slice %arg8[%dma_start3A_227, %mul3A_2, %dma_start3A_228] : memref<50x4096x128xf32, #tpu.memory_space<hbm>> -> memref<1x128x32xf32, #tpu.memory_space<hbm>>
    %dma_start3A_230 = tpu.memref_squeeze %dma_start3A_229 : memref<1x128x32xf32, #tpu.memory_space<hbm>> -> memref<128x32xf32, #tpu.memory_space<hbm>>
    %dma_start3A_231 = arith.constant 96 : i32
    %dma_start3A_232 = tpu.memref_slice %arg8[%dma_start3A_227, %mul3A_2, %dma_start3A_231] : memref<50x4096x128xf32, #tpu.memory_space<hbm>> -> memref<1x128x32xf32, #tpu.memory_space<hbm>>
    %dma_start3A_233 = tpu.memref_squeeze %dma_start3A_232 : memref<1x128x32xf32, #tpu.memory_space<hbm>> -> memref<128x32xf32, #tpu.memory_space<hbm>>
    tpu.enqueue_dma source(%arg17 : memref<128x32xf32, #tpu.memory_space<vmem>>) target(%dma_start3A_233 : memref<128x32xf32, #tpu.memory_space<hbm>>) target_semaphore(%arg29 : memref<!tpu.dma_semaphore, #tpu.memory_space<semaphore_mem>>)
    %dma_wait3A_234 = arith.constant 45 : i32
    %dma_wait3A_235 = arith.constant 0 : i32
    %dma_wait3A_236 = arith.constant 0 : i32
    %dma_wait3A_237 = tpu.memref_slice %arg15[%dma_wait3A_235, %dma_wait3A_236] : memref<128x128xf32, #tpu.memory_space<vmem>> -> memref<128x64xf32, #tpu.memory_space<vmem>>
    %dma_wait3A_238 = arith.constant 0 : i32
    %dma_wait3A_239 = tpu.memref_slice %arg8[%dma_wait3A_234, %mul3A_2, %dma_wait3A_238] : memref<50x4096x128xf32, #tpu.memory_space<hbm>> -> memref<1x128x64xf32, #tpu.memory_space<hbm>>
    %dma_wait3A_240 = tpu.memref_squeeze %dma_wait3A_239 : memref<1x128x64xf32, #tpu.memory_space<hbm>> -> memref<128x64xf32, #tpu.memory_space<hbm>>
    %dma_wait3A_241 = arith.constant 0 : i32
    %dma_wait3A_242 = tpu.memref_slice %arg8[%dma_wait3A_234, %mul3A_2, %dma_wait3A_241] : memref<50x4096x128xf32, #tpu.memory_space<hbm>> -> memref<1x128x64xf32, #tpu.memory_space<hbm>>
    %dma_wait3A_243 = tpu.memref_squeeze %dma_wait3A_242 : memref<1x128x64xf32, #tpu.memory_space<hbm>> -> memref<128x64xf32, #tpu.memory_space<hbm>>
    %dma_wait3A_244 = arith.constant 0 : i32
    %dma_wait3A_245 = arith.constant 0 : i32
    %dma_wait3A_246 = tpu.memref_slice %arg15[%dma_wait3A_244, %dma_wait3A_245] : memref<128x128xf32, #tpu.memory_space<vmem>> -> memref<128x64xf32, #tpu.memory_space<vmem>>
    tpu.wait_dma2 semaphore(%arg29 : memref<!tpu.dma_semaphore, #tpu.memory_space<semaphore_mem>>) src(%dma_wait3A_246 : memref<128x64xf32, #tpu.memory_space<vmem>>) dst(%dma_wait3A_243 : memref<128x64xf32, #tpu.memory_space<hbm>>)
    %dma_wait3A_247 = arith.constant 45 : i32
    %dma_wait3A_248 = arith.constant 64 : i32
    %dma_wait3A_249 = tpu.memref_slice %arg8[%dma_wait3A_247, %mul3A_2, %dma_wait3A_248] : memref<50x4096x128xf32, #tpu.memory_space<hbm>> -> memref<1x128x32xf32, #tpu.memory_space<hbm>>
    %dma_wait3A_250 = tpu.memref_squeeze %dma_wait3A_249 : memref<1x128x32xf32, #tpu.memory_space<hbm>> -> memref<128x32xf32, #tpu.memory_space<hbm>>
    %dma_wait3A_251 = arith.constant 64 : i32
    %dma_wait3A_252 = tpu.memref_slice %arg8[%dma_wait3A_247, %mul3A_2, %dma_wait3A_251] : memref<50x4096x128xf32, #tpu.memory_space<hbm>> -> memref<1x128x32xf32, #tpu.memory_space<hbm>>
    %dma_wait3A_253 = tpu.memref_squeeze %dma_wait3A_252 : memref<1x128x32xf32, #tpu.memory_space<hbm>> -> memref<128x32xf32, #tpu.memory_space<hbm>>
    tpu.wait_dma2 semaphore(%arg29 : memref<!tpu.dma_semaphore, #tpu.memory_space<semaphore_mem>>) src(%arg16 : memref<128x32xf32, #tpu.memory_space<vmem>>) dst(%dma_wait3A_253 : memref<128x32xf32, #tpu.memory_space<hbm>>)
    %dma_wait3A_254 = arith.constant 45 : i32
    %dma_wait3A_255 = arith.constant 96 : i32
    %dma_wait3A_256 = tpu.memref_slice %arg8[%dma_wait3A_254, %mul3A_2, %dma_wait3A_255] : memref<50x4096x128xf32, #tpu.memory_space<hbm>> -> memref<1x128x32xf32, #tpu.memory_space<hbm>>
    %dma_wait3A_257 = tpu.memref_squeeze %dma_wait3A_256 : memref<1x128x32xf32, #tpu.memory_space<hbm>> -> memref<128x32xf32, #tpu.memory_space<hbm>>
    %dma_wait3A_258 = arith.constant 96 : i32
    %dma_wait3A_259 = tpu.memref_slice %arg8[%dma_wait3A_254, %mul3A_2, %dma_wait3A_258] : memref<50x4096x128xf32, #tpu.memory_space<hbm>> -> memref<1x128x32xf32, #tpu.memory_space<hbm>>
    %dma_wait3A_260 = tpu.memref_squeeze %dma_wait3A_259 : memref<1x128x32xf32, #tpu.memory_space<hbm>> -> memref<128x32xf32, #tpu.memory_space<hbm>>
    tpu.wait_dma2 semaphore(%arg29 : memref<!tpu.dma_semaphore, #tpu.memory_space<semaphore_mem>>) src(%arg17 : memref<128x32xf32, #tpu.memory_space<vmem>>) dst(%dma_wait3A_260 : memref<128x32xf32, #tpu.memory_space<hbm>>)
    %dma_start3A_261 = arith.constant 49 : i32
    %dma_start3A_262 = arith.constant 0 : i32
    %dma_start3A_263 = tpu.memref_slice %arg9[%dma_start3A_261, %dma_start3A_262] : memref<50x128xi32, #tpu.memory_space<vmem>> -> memref<1x128xi32, #tpu.memory_space<vmem>>
    %dma_start3A_264 = tpu.memref_squeeze %dma_start3A_263 : memref<1x128xi32, #tpu.memory_space<vmem>> -> memref<128xi32, #tpu.memory_space<vmem>>
    %dma_start3A_265 = arith.constant 0 : i32
    %dma_start3A_266 = arith.constant 0 : i32
    %dma_start3A_267 = tpu.memref_slice %arg5[%dma_start3A_265, %dma_start3A_266] : memref<1000000x128xf32, #tpu.memory_space<hbm>> -> memref<1000000x128xf32, #tpu.memory_space<hbm>>
    tpu.enqueue_indirect_dma source(%dma_start3A_267 : memref<1000000x128xf32, #tpu.memory_space<hbm>>) target(%arg15 : memref<128x128xf32, #tpu.memory_space<vmem>>) offsets(%dma_start3A_264 : memref<128xi32, #tpu.memory_space<vmem>>) semaphore(%arg25 : memref<!tpu.dma_semaphore, #tpu.memory_space<semaphore_mem>>)
    %dma_start3A_268 = arith.constant 49 : i32
    %dma_start3A_269 = arith.constant 0 : i32
    %dma_start3A_270 = tpu.memref_slice %arg10[%dma_start3A_268, %dma_start3A_269] : memref<50x128xi32, #tpu.memory_space<vmem>> -> memref<1x128xi32, #tpu.memory_space<vmem>>
    %dma_start3A_271 = tpu.memref_squeeze %dma_start3A_270 : memref<1x128xi32, #tpu.memory_space<vmem>> -> memref<128xi32, #tpu.memory_space<vmem>>
    %dma_start3A_272 = arith.constant 0 : i32
    %dma_start3A_273 = arith.constant 0 : i32
    %dma_start3A_274 = tpu.memref_slice %arg6[%dma_start3A_272, %dma_start3A_273] : memref<100000x32xf32, #tpu.memory_space<hbm>> -> memref<100000x32xf32, #tpu.memory_space<hbm>>
    tpu.enqueue_indirect_dma source(%dma_start3A_274 : memref<100000x32xf32, #tpu.memory_space<hbm>>) target(%arg16 : memref<128x32xf32, #tpu.memory_space<vmem>>) offsets(%dma_start3A_271 : memref<128xi32, #tpu.memory_space<vmem>>) semaphore(%arg25 : memref<!tpu.dma_semaphore, #tpu.memory_space<semaphore_mem>>)
    %dma_start3A_275 = arith.constant 49 : i32
    %dma_start3A_276 = arith.constant 0 : i32
    %dma_start3A_277 = tpu.memref_slice %arg11[%dma_start3A_275, %dma_start3A_276] : memref<50x128xi32, #tpu.memory_space<vmem>> -> memref<1x128xi32, #tpu.memory_space<vmem>>
    %dma_start3A_278 = tpu.memref_squeeze %dma_start3A_277 : memref<1x128xi32, #tpu.memory_space<vmem>> -> memref<128xi32, #tpu.memory_space<vmem>>
    %dma_start3A_279 = arith.constant 0 : i32
    %dma_start3A_280 = arith.constant 0 : i32
    %dma_start3A_281 = tpu.memref_slice %arg7[%dma_start3A_279, %dma_start3A_280] : memref<100000x32xf32, #tpu.memory_space<hbm>> -> memref<100000x32xf32, #tpu.memory_space<hbm>>
    tpu.enqueue_indirect_dma source(%dma_start3A_281 : memref<100000x32xf32, #tpu.memory_space<hbm>>) target(%arg17 : memref<128x32xf32, #tpu.memory_space<vmem>>) offsets(%dma_start3A_278 : memref<128xi32, #tpu.memory_space<vmem>>) semaphore(%arg25 : memref<!tpu.dma_semaphore, #tpu.memory_space<semaphore_mem>>)
    %dma_wait3A_282 = arith.constant 46 : i32
    %dma_wait3A_283 = arith.constant 0 : i32
    %dma_wait3A_284 = tpu.memref_slice %arg9[%dma_wait3A_282, %dma_wait3A_283] : memref<50x128xi32, #tpu.memory_space<vmem>> -> memref<1x128xi32, #tpu.memory_space<vmem>>
    %dma_wait3A_285 = tpu.memref_squeeze %dma_wait3A_284 : memref<1x128xi32, #tpu.memory_space<vmem>> -> memref<128xi32, #tpu.memory_space<vmem>>
    %dma_wait3A_286 = arith.constant 0 : i32
    %dma_wait3A_287 = arith.constant 0 : i32
    %dma_wait3A_288 = tpu.memref_slice %arg5[%dma_wait3A_286, %dma_wait3A_287] : memref<1000000x128xf32, #tpu.memory_space<hbm>> -> memref<1000000x128xf32, #tpu.memory_space<hbm>>
    tpu.wait_indirect_dma semaphore(%arg26 : memref<!tpu.dma_semaphore, #tpu.memory_space<semaphore_mem>>) src(%dma_wait3A_288 : memref<1000000x128xf32, #tpu.memory_space<hbm>>) dst(%arg18 : memref<128x128xf32, #tpu.memory_space<vmem>>)
    %dma_wait3A_289 = arith.constant 46 : i32
    %dma_wait3A_290 = arith.constant 0 : i32
    %dma_wait3A_291 = tpu.memref_slice %arg10[%dma_wait3A_289, %dma_wait3A_290] : memref<50x128xi32, #tpu.memory_space<vmem>> -> memref<1x128xi32, #tpu.memory_space<vmem>>
    %dma_wait3A_292 = tpu.memref_squeeze %dma_wait3A_291 : memref<1x128xi32, #tpu.memory_space<vmem>> -> memref<128xi32, #tpu.memory_space<vmem>>
    %dma_wait3A_293 = arith.constant 0 : i32
    %dma_wait3A_294 = arith.constant 0 : i32
    %dma_wait3A_295 = tpu.memref_slice %arg6[%dma_wait3A_293, %dma_wait3A_294] : memref<100000x32xf32, #tpu.memory_space<hbm>> -> memref<100000x32xf32, #tpu.memory_space<hbm>>
    tpu.wait_indirect_dma semaphore(%arg26 : memref<!tpu.dma_semaphore, #tpu.memory_space<semaphore_mem>>) src(%dma_wait3A_295 : memref<100000x32xf32, #tpu.memory_space<hbm>>) dst(%arg19 : memref<128x32xf32, #tpu.memory_space<vmem>>)
    %dma_wait3A_296 = arith.constant 46 : i32
    %dma_wait3A_297 = arith.constant 0 : i32
    %dma_wait3A_298 = tpu.memref_slice %arg11[%dma_wait3A_296, %dma_wait3A_297] : memref<50x128xi32, #tpu.memory_space<vmem>> -> memref<1x128xi32, #tpu.memory_space<vmem>>
    %dma_wait3A_299 = tpu.memref_squeeze %dma_wait3A_298 : memref<1x128xi32, #tpu.memory_space<vmem>> -> memref<128xi32, #tpu.memory_space<vmem>>
    %dma_wait3A_300 = arith.constant 0 : i32
    %dma_wait3A_301 = arith.constant 0 : i32
    %dma_wait3A_302 = tpu.memref_slice %arg7[%dma_wait3A_300, %dma_wait3A_301] : memref<100000x32xf32, #tpu.memory_space<hbm>> -> memref<100000x32xf32, #tpu.memory_space<hbm>>
    tpu.wait_indirect_dma semaphore(%arg26 : memref<!tpu.dma_semaphore, #tpu.memory_space<semaphore_mem>>) src(%dma_wait3A_302 : memref<100000x32xf32, #tpu.memory_space<hbm>>) dst(%arg20 : memref<128x32xf32, #tpu.memory_space<vmem>>)
    %dma_start3A_303 = arith.constant 46 : i32
    %dma_start3A_304 = arith.constant 0 : i32
    %dma_start3A_305 = arith.constant 0 : i32
    %dma_start3A_306 = tpu.memref_slice %arg18[%dma_start3A_304, %dma_start3A_305] : memref<128x128xf32, #tpu.memory_space<vmem>> -> memref<128x64xf32, #tpu.memory_space<vmem>>
    %dma_start3A_307 = arith.constant 0 : i32
    %dma_start3A_308 = tpu.memref_slice %arg8[%dma_start3A_303, %mul3A_2, %dma_start3A_307] : memref<50x4096x128xf32, #tpu.memory_space<hbm>> -> memref<1x128x64xf32, #tpu.memory_space<hbm>>
    %dma_start3A_309 = tpu.memref_squeeze %dma_start3A_308 : memref<1x128x64xf32, #tpu.memory_space<hbm>> -> memref<128x64xf32, #tpu.memory_space<hbm>>
    %dma_start3A_310 = arith.constant 0 : i32
    %dma_start3A_311 = tpu.memref_slice %arg8[%dma_start3A_303, %mul3A_2, %dma_start3A_310] : memref<50x4096x128xf32, #tpu.memory_space<hbm>> -> memref<1x128x64xf32, #tpu.memory_space<hbm>>
    %dma_start3A_312 = tpu.memref_squeeze %dma_start3A_311 : memref<1x128x64xf32, #tpu.memory_space<hbm>> -> memref<128x64xf32, #tpu.memory_space<hbm>>
    %dma_start3A_313 = arith.constant 0 : i32
    %dma_start3A_314 = arith.constant 0 : i32
    %dma_start3A_315 = tpu.memref_slice %arg18[%dma_start3A_313, %dma_start3A_314] : memref<128x128xf32, #tpu.memory_space<vmem>> -> memref<128x64xf32, #tpu.memory_space<vmem>>
    tpu.enqueue_dma source(%dma_start3A_315 : memref<128x64xf32, #tpu.memory_space<vmem>>) target(%dma_start3A_312 : memref<128x64xf32, #tpu.memory_space<hbm>>) target_semaphore(%arg30 : memref<!tpu.dma_semaphore, #tpu.memory_space<semaphore_mem>>)
    %dma_start3A_316 = arith.constant 46 : i32
    %dma_start3A_317 = arith.constant 64 : i32
    %dma_start3A_318 = tpu.memref_slice %arg8[%dma_start3A_316, %mul3A_2, %dma_start3A_317] : memref<50x4096x128xf32, #tpu.memory_space<hbm>> -> memref<1x128x32xf32, #tpu.memory_space<hbm>>
    %dma_start3A_319 = tpu.memref_squeeze %dma_start3A_318 : memref<1x128x32xf32, #tpu.memory_space<hbm>> -> memref<128x32xf32, #tpu.memory_space<hbm>>
    %dma_start3A_320 = arith.constant 64 : i32
    %dma_start3A_321 = tpu.memref_slice %arg8[%dma_start3A_316, %mul3A_2, %dma_start3A_320] : memref<50x4096x128xf32, #tpu.memory_space<hbm>> -> memref<1x128x32xf32, #tpu.memory_space<hbm>>
    %dma_start3A_322 = tpu.memref_squeeze %dma_start3A_321 : memref<1x128x32xf32, #tpu.memory_space<hbm>> -> memref<128x32xf32, #tpu.memory_space<hbm>>
    tpu.enqueue_dma source(%arg19 : memref<128x32xf32, #tpu.memory_space<vmem>>) target(%dma_start3A_322 : memref<128x32xf32, #tpu.memory_space<hbm>>) target_semaphore(%arg30 : memref<!tpu.dma_semaphore, #tpu.memory_space<semaphore_mem>>)
    %dma_start3A_323 = arith.constant 46 : i32
    %dma_start3A_324 = arith.constant 96 : i32
    %dma_start3A_325 = tpu.memref_slice %arg8[%dma_start3A_323, %mul3A_2, %dma_start3A_324] : memref<50x4096x128xf32, #tpu.memory_space<hbm>> -> memref<1x128x32xf32, #tpu.memory_space<hbm>>
    %dma_start3A_326 = tpu.memref_squeeze %dma_start3A_325 : memref<1x128x32xf32, #tpu.memory_space<hbm>> -> memref<128x32xf32, #tpu.memory_space<hbm>>
    %dma_start3A_327 = arith.constant 96 : i32
    %dma_start3A_328 = tpu.memref_slice %arg8[%dma_start3A_323, %mul3A_2, %dma_start3A_327] : memref<50x4096x128xf32, #tpu.memory_space<hbm>> -> memref<1x128x32xf32, #tpu.memory_space<hbm>>
    %dma_start3A_329 = tpu.memref_squeeze %dma_start3A_328 : memref<1x128x32xf32, #tpu.memory_space<hbm>> -> memref<128x32xf32, #tpu.memory_space<hbm>>
    tpu.enqueue_dma source(%arg20 : memref<128x32xf32, #tpu.memory_space<vmem>>) target(%dma_start3A_329 : memref<128x32xf32, #tpu.memory_space<hbm>>) target_semaphore(%arg30 : memref<!tpu.dma_semaphore, #tpu.memory_space<semaphore_mem>>)
    %dma_wait3A_330 = arith.constant 46 : i32
    %dma_wait3A_331 = arith.constant 0 : i32
    %dma_wait3A_332 = arith.constant 0 : i32
    %dma_wait3A_333 = tpu.memref_slice %arg18[%dma_wait3A_331, %dma_wait3A_332] : memref<128x128xf32, #tpu.memory_space<vmem>> -> memref<128x64xf32, #tpu.memory_space<vmem>>
    %dma_wait3A_334 = arith.constant 0 : i32
    %dma_wait3A_335 = tpu.memref_slice %arg8[%dma_wait3A_330, %mul3A_2, %dma_wait3A_334] : memref<50x4096x128xf32, #tpu.memory_space<hbm>> -> memref<1x128x64xf32, #tpu.memory_space<hbm>>
    %dma_wait3A_336 = tpu.memref_squeeze %dma_wait3A_335 : memref<1x128x64xf32, #tpu.memory_space<hbm>> -> memref<128x64xf32, #tpu.memory_space<hbm>>
    %dma_wait3A_337 = arith.constant 0 : i32
    %dma_wait3A_338 = tpu.memref_slice %arg8[%dma_wait3A_330, %mul3A_2, %dma_wait3A_337] : memref<50x4096x128xf32, #tpu.memory_space<hbm>> -> memref<1x128x64xf32, #tpu.memory_space<hbm>>
    %dma_wait3A_339 = tpu.memref_squeeze %dma_wait3A_338 : memref<1x128x64xf32, #tpu.memory_space<hbm>> -> memref<128x64xf32, #tpu.memory_space<hbm>>
    %dma_wait3A_340 = arith.constant 0 : i32
    %dma_wait3A_341 = arith.constant 0 : i32
    %dma_wait3A_342 = tpu.memref_slice %arg18[%dma_wait3A_340, %dma_wait3A_341] : memref<128x128xf32, #tpu.memory_space<vmem>> -> memref<128x64xf32, #tpu.memory_space<vmem>>
    tpu.wait_dma2 semaphore(%arg30 : memref<!tpu.dma_semaphore, #tpu.memory_space<semaphore_mem>>) src(%dma_wait3A_342 : memref<128x64xf32, #tpu.memory_space<vmem>>) dst(%dma_wait3A_339 : memref<128x64xf32, #tpu.memory_space<hbm>>)
    %dma_wait3A_343 = arith.constant 46 : i32
    %dma_wait3A_344 = arith.constant 64 : i32
    %dma_wait3A_345 = tpu.memref_slice %arg8[%dma_wait3A_343, %mul3A_2, %dma_wait3A_344] : memref<50x4096x128xf32, #tpu.memory_space<hbm>> -> memref<1x128x32xf32, #tpu.memory_space<hbm>>
    %dma_wait3A_346 = tpu.memref_squeeze %dma_wait3A_345 : memref<1x128x32xf32, #tpu.memory_space<hbm>> -> memref<128x32xf32, #tpu.memory_space<hbm>>
    %dma_wait3A_347 = arith.constant 64 : i32
    %dma_wait3A_348 = tpu.memref_slice %arg8[%dma_wait3A_343, %mul3A_2, %dma_wait3A_347] : memref<50x4096x128xf32, #tpu.memory_space<hbm>> -> memref<1x128x32xf32, #tpu.memory_space<hbm>>
    %dma_wait3A_349 = tpu.memref_squeeze %dma_wait3A_348 : memref<1x128x32xf32, #tpu.memory_space<hbm>> -> memref<128x32xf32, #tpu.memory_space<hbm>>
    tpu.wait_dma2 semaphore(%arg30 : memref<!tpu.dma_semaphore, #tpu.memory_space<semaphore_mem>>) src(%arg19 : memref<128x32xf32, #tpu.memory_space<vmem>>) dst(%dma_wait3A_349 : memref<128x32xf32, #tpu.memory_space<hbm>>)
    %dma_wait3A_350 = arith.constant 46 : i32
    %dma_wait3A_351 = arith.constant 96 : i32
    %dma_wait3A_352 = tpu.memref_slice %arg8[%dma_wait3A_350, %mul3A_2, %dma_wait3A_351] : memref<50x4096x128xf32, #tpu.memory_space<hbm>> -> memref<1x128x32xf32, #tpu.memory_space<hbm>>
    %dma_wait3A_353 = tpu.memref_squeeze %dma_wait3A_352 : memref<1x128x32xf32, #tpu.memory_space<hbm>> -> memref<128x32xf32, #tpu.memory_space<hbm>>
    %dma_wait3A_354 = arith.constant 96 : i32
    %dma_wait3A_355 = tpu.memref_slice %arg8[%dma_wait3A_350, %mul3A_2, %dma_wait3A_354] : memref<50x4096x128xf32, #tpu.memory_space<hbm>> -> memref<1x128x32xf32, #tpu.memory_space<hbm>>
    %dma_wait3A_356 = tpu.memref_squeeze %dma_wait3A_355 : memref<1x128x32xf32, #tpu.memory_space<hbm>> -> memref<128x32xf32, #tpu.memory_space<hbm>>
    tpu.wait_dma2 semaphore(%arg30 : memref<!tpu.dma_semaphore, #tpu.memory_space<semaphore_mem>>) src(%arg20 : memref<128x32xf32, #tpu.memory_space<vmem>>) dst(%dma_wait3A_356 : memref<128x32xf32, #tpu.memory_space<hbm>>)
    %dma_wait3A_357 = arith.constant 47 : i32
    %dma_wait3A_358 = arith.constant 0 : i32
    %dma_wait3A_359 = tpu.memref_slice %arg9[%dma_wait3A_357, %dma_wait3A_358] : memref<50x128xi32, #tpu.memory_space<vmem>> -> memref<1x128xi32, #tpu.memory_space<vmem>>
    %dma_wait3A_360 = tpu.memref_squeeze %dma_wait3A_359 : memref<1x128xi32, #tpu.memory_space<vmem>> -> memref<128xi32, #tpu.memory_space<vmem>>
    %dma_wait3A_361 = arith.constant 0 : i32
    %dma_wait3A_362 = arith.constant 0 : i32
    %dma_wait3A_363 = tpu.memref_slice %arg5[%dma_wait3A_361, %dma_wait3A_362] : memref<1000000x128xf32, #tpu.memory_space<hbm>> -> memref<1000000x128xf32, #tpu.memory_space<hbm>>
    tpu.wait_indirect_dma semaphore(%arg27 : memref<!tpu.dma_semaphore, #tpu.memory_space<semaphore_mem>>) src(%dma_wait3A_363 : memref<1000000x128xf32, #tpu.memory_space<hbm>>) dst(%arg21 : memref<128x128xf32, #tpu.memory_space<vmem>>)
    %dma_wait3A_364 = arith.constant 47 : i32
    %dma_wait3A_365 = arith.constant 0 : i32
    %dma_wait3A_366 = tpu.memref_slice %arg10[%dma_wait3A_364, %dma_wait3A_365] : memref<50x128xi32, #tpu.memory_space<vmem>> -> memref<1x128xi32, #tpu.memory_space<vmem>>
    %dma_wait3A_367 = tpu.memref_squeeze %dma_wait3A_366 : memref<1x128xi32, #tpu.memory_space<vmem>> -> memref<128xi32, #tpu.memory_space<vmem>>
    %dma_wait3A_368 = arith.constant 0 : i32
    %dma_wait3A_369 = arith.constant 0 : i32
    %dma_wait3A_370 = tpu.memref_slice %arg6[%dma_wait3A_368, %dma_wait3A_369] : memref<100000x32xf32, #tpu.memory_space<hbm>> -> memref<100000x32xf32, #tpu.memory_space<hbm>>
    tpu.wait_indirect_dma semaphore(%arg27 : memref<!tpu.dma_semaphore, #tpu.memory_space<semaphore_mem>>) src(%dma_wait3A_370 : memref<100000x32xf32, #tpu.memory_space<hbm>>) dst(%arg22 : memref<128x32xf32, #tpu.memory_space<vmem>>)
    %dma_wait3A_371 = arith.constant 47 : i32
    %dma_wait3A_372 = arith.constant 0 : i32
    %dma_wait3A_373 = tpu.memref_slice %arg11[%dma_wait3A_371, %dma_wait3A_372] : memref<50x128xi32, #tpu.memory_space<vmem>> -> memref<1x128xi32, #tpu.memory_space<vmem>>
    %dma_wait3A_374 = tpu.memref_squeeze %dma_wait3A_373 : memref<1x128xi32, #tpu.memory_space<vmem>> -> memref<128xi32, #tpu.memory_space<vmem>>
    %dma_wait3A_375 = arith.constant 0 : i32
    %dma_wait3A_376 = arith.constant 0 : i32
    %dma_wait3A_377 = tpu.memref_slice %arg7[%dma_wait3A_375, %dma_wait3A_376] : memref<100000x32xf32, #tpu.memory_space<hbm>> -> memref<100000x32xf32, #tpu.memory_space<hbm>>
    tpu.wait_indirect_dma semaphore(%arg27 : memref<!tpu.dma_semaphore, #tpu.memory_space<semaphore_mem>>) src(%dma_wait3A_377 : memref<100000x32xf32, #tpu.memory_space<hbm>>) dst(%arg23 : memref<128x32xf32, #tpu.memory_space<vmem>>)
    %dma_start3A_378 = arith.constant 47 : i32
    %dma_start3A_379 = arith.constant 0 : i32
    %dma_start3A_380 = arith.constant 0 : i32
    %dma_start3A_381 = tpu.memref_slice %arg21[%dma_start3A_379, %dma_start3A_380] : memref<128x128xf32, #tpu.memory_space<vmem>> -> memref<128x64xf32, #tpu.memory_space<vmem>>
    %dma_start3A_382 = arith.constant 0 : i32
    %dma_start3A_383 = tpu.memref_slice %arg8[%dma_start3A_378, %mul3A_2, %dma_start3A_382] : memref<50x4096x128xf32, #tpu.memory_space<hbm>> -> memref<1x128x64xf32, #tpu.memory_space<hbm>>
    %dma_start3A_384 = tpu.memref_squeeze %dma_start3A_383 : memref<1x128x64xf32, #tpu.memory_space<hbm>> -> memref<128x64xf32, #tpu.memory_space<hbm>>
    %dma_start3A_385 = arith.constant 0 : i32
    %dma_start3A_386 = tpu.memref_slice %arg8[%dma_start3A_378, %mul3A_2, %dma_start3A_385] : memref<50x4096x128xf32, #tpu.memory_space<hbm>> -> memref<1x128x64xf32, #tpu.memory_space<hbm>>
    %dma_start3A_387 = tpu.memref_squeeze %dma_start3A_386 : memref<1x128x64xf32, #tpu.memory_space<hbm>> -> memref<128x64xf32, #tpu.memory_space<hbm>>
    %dma_start3A_388 = arith.constant 0 : i32
    %dma_start3A_389 = arith.constant 0 : i32
    %dma_start3A_390 = tpu.memref_slice %arg21[%dma_start3A_388, %dma_start3A_389] : memref<128x128xf32, #tpu.memory_space<vmem>> -> memref<128x64xf32, #tpu.memory_space<vmem>>
    tpu.enqueue_dma source(%dma_start3A_390 : memref<128x64xf32, #tpu.memory_space<vmem>>) target(%dma_start3A_387 : memref<128x64xf32, #tpu.memory_space<hbm>>) target_semaphore(%arg31 : memref<!tpu.dma_semaphore, #tpu.memory_space<semaphore_mem>>)
    %dma_start3A_391 = arith.constant 47 : i32
    %dma_start3A_392 = arith.constant 64 : i32
    %dma_start3A_393 = tpu.memref_slice %arg8[%dma_start3A_391, %mul3A_2, %dma_start3A_392] : memref<50x4096x128xf32, #tpu.memory_space<hbm>> -> memref<1x128x32xf32, #tpu.memory_space<hbm>>
    %dma_start3A_394 = tpu.memref_squeeze %dma_start3A_393 : memref<1x128x32xf32, #tpu.memory_space<hbm>> -> memref<128x32xf32, #tpu.memory_space<hbm>>
    %dma_start3A_395 = arith.constant 64 : i32
    %dma_start3A_396 = tpu.memref_slice %arg8[%dma_start3A_391, %mul3A_2, %dma_start3A_395] : memref<50x4096x128xf32, #tpu.memory_space<hbm>> -> memref<1x128x32xf32, #tpu.memory_space<hbm>>
    %dma_start3A_397 = tpu.memref_squeeze %dma_start3A_396 : memref<1x128x32xf32, #tpu.memory_space<hbm>> -> memref<128x32xf32, #tpu.memory_space<hbm>>
    tpu.enqueue_dma source(%arg22 : memref<128x32xf32, #tpu.memory_space<vmem>>) target(%dma_start3A_397 : memref<128x32xf32, #tpu.memory_space<hbm>>) target_semaphore(%arg31 : memref<!tpu.dma_semaphore, #tpu.memory_space<semaphore_mem>>)
    %dma_start3A_398 = arith.constant 47 : i32
    %dma_start3A_399 = arith.constant 96 : i32
    %dma_start3A_400 = tpu.memref_slice %arg8[%dma_start3A_398, %mul3A_2, %dma_start3A_399] : memref<50x4096x128xf32, #tpu.memory_space<hbm>> -> memref<1x128x32xf32, #tpu.memory_space<hbm>>
    %dma_start3A_401 = tpu.memref_squeeze %dma_start3A_400 : memref<1x128x32xf32, #tpu.memory_space<hbm>> -> memref<128x32xf32, #tpu.memory_space<hbm>>
    %dma_start3A_402 = arith.constant 96 : i32
    %dma_start3A_403 = tpu.memref_slice %arg8[%dma_start3A_398, %mul3A_2, %dma_start3A_402] : memref<50x4096x128xf32, #tpu.memory_space<hbm>> -> memref<1x128x32xf32, #tpu.memory_space<hbm>>
    %dma_start3A_404 = tpu.memref_squeeze %dma_start3A_403 : memref<1x128x32xf32, #tpu.memory_space<hbm>> -> memref<128x32xf32, #tpu.memory_space<hbm>>
    tpu.enqueue_dma source(%arg23 : memref<128x32xf32, #tpu.memory_space<vmem>>) target(%dma_start3A_404 : memref<128x32xf32, #tpu.memory_space<hbm>>) target_semaphore(%arg31 : memref<!tpu.dma_semaphore, #tpu.memory_space<semaphore_mem>>)
    %dma_wait3A_405 = arith.constant 47 : i32
    %dma_wait3A_406 = arith.constant 0 : i32
    %dma_wait3A_407 = arith.constant 0 : i32
    %dma_wait3A_408 = tpu.memref_slice %arg21[%dma_wait3A_406, %dma_wait3A_407] : memref<128x128xf32, #tpu.memory_space<vmem>> -> memref<128x64xf32, #tpu.memory_space<vmem>>
    %dma_wait3A_409 = arith.constant 0 : i32
    %dma_wait3A_410 = tpu.memref_slice %arg8[%dma_wait3A_405, %mul3A_2, %dma_wait3A_409] : memref<50x4096x128xf32, #tpu.memory_space<hbm>> -> memref<1x128x64xf32, #tpu.memory_space<hbm>>
    %dma_wait3A_411 = tpu.memref_squeeze %dma_wait3A_410 : memref<1x128x64xf32, #tpu.memory_space<hbm>> -> memref<128x64xf32, #tpu.memory_space<hbm>>
    %dma_wait3A_412 = arith.constant 0 : i32
    %dma_wait3A_413 = tpu.memref_slice %arg8[%dma_wait3A_405, %mul3A_2, %dma_wait3A_412] : memref<50x4096x128xf32, #tpu.memory_space<hbm>> -> memref<1x128x64xf32, #tpu.memory_space<hbm>>
    %dma_wait3A_414 = tpu.memref_squeeze %dma_wait3A_413 : memref<1x128x64xf32, #tpu.memory_space<hbm>> -> memref<128x64xf32, #tpu.memory_space<hbm>>
    %dma_wait3A_415 = arith.constant 0 : i32
    %dma_wait3A_416 = arith.constant 0 : i32
    %dma_wait3A_417 = tpu.memref_slice %arg21[%dma_wait3A_415, %dma_wait3A_416] : memref<128x128xf32, #tpu.memory_space<vmem>> -> memref<128x64xf32, #tpu.memory_space<vmem>>
    tpu.wait_dma2 semaphore(%arg31 : memref<!tpu.dma_semaphore, #tpu.memory_space<semaphore_mem>>) src(%dma_wait3A_417 : memref<128x64xf32, #tpu.memory_space<vmem>>) dst(%dma_wait3A_414 : memref<128x64xf32, #tpu.memory_space<hbm>>)
    %dma_wait3A_418 = arith.constant 47 : i32
    %dma_wait3A_419 = arith.constant 64 : i32
    %dma_wait3A_420 = tpu.memref_slice %arg8[%dma_wait3A_418, %mul3A_2, %dma_wait3A_419] : memref<50x4096x128xf32, #tpu.memory_space<hbm>> -> memref<1x128x32xf32, #tpu.memory_space<hbm>>
    %dma_wait3A_421 = tpu.memref_squeeze %dma_wait3A_420 : memref<1x128x32xf32, #tpu.memory_space<hbm>> -> memref<128x32xf32, #tpu.memory_space<hbm>>
    %dma_wait3A_422 = arith.constant 64 : i32
    %dma_wait3A_423 = tpu.memref_slice %arg8[%dma_wait3A_418, %mul3A_2, %dma_wait3A_422] : memref<50x4096x128xf32, #tpu.memory_space<hbm>> -> memref<1x128x32xf32, #tpu.memory_space<hbm>>
    %dma_wait3A_424 = tpu.memref_squeeze %dma_wait3A_423 : memref<1x128x32xf32, #tpu.memory_space<hbm>> -> memref<128x32xf32, #tpu.memory_space<hbm>>
    tpu.wait_dma2 semaphore(%arg31 : memref<!tpu.dma_semaphore, #tpu.memory_space<semaphore_mem>>) src(%arg22 : memref<128x32xf32, #tpu.memory_space<vmem>>) dst(%dma_wait3A_424 : memref<128x32xf32, #tpu.memory_space<hbm>>)
    %dma_wait3A_425 = arith.constant 47 : i32
    %dma_wait3A_426 = arith.constant 96 : i32
    %dma_wait3A_427 = tpu.memref_slice %arg8[%dma_wait3A_425, %mul3A_2, %dma_wait3A_426] : memref<50x4096x128xf32, #tpu.memory_space<hbm>> -> memref<1x128x32xf32, #tpu.memory_space<hbm>>
    %dma_wait3A_428 = tpu.memref_squeeze %dma_wait3A_427 : memref<1x128x32xf32, #tpu.memory_space<hbm>> -> memref<128x32xf32, #tpu.memory_space<hbm>>
    %dma_wait3A_429 = arith.constant 96 : i32
    %dma_wait3A_430 = tpu.memref_slice %arg8[%dma_wait3A_425, %mul3A_2, %dma_wait3A_429] : memref<50x4096x128xf32, #tpu.memory_space<hbm>> -> memref<1x128x32xf32, #tpu.memory_space<hbm>>
    %dma_wait3A_431 = tpu.memref_squeeze %dma_wait3A_430 : memref<1x128x32xf32, #tpu.memory_space<hbm>> -> memref<128x32xf32, #tpu.memory_space<hbm>>
    tpu.wait_dma2 semaphore(%arg31 : memref<!tpu.dma_semaphore, #tpu.memory_space<semaphore_mem>>) src(%arg23 : memref<128x32xf32, #tpu.memory_space<vmem>>) dst(%dma_wait3A_431 : memref<128x32xf32, #tpu.memory_space<hbm>>)
    %dma_wait3A_432 = arith.constant 48 : i32
    %dma_wait3A_433 = arith.constant 0 : i32
    %dma_wait3A_434 = tpu.memref_slice %arg9[%dma_wait3A_432, %dma_wait3A_433] : memref<50x128xi32, #tpu.memory_space<vmem>> -> memref<1x128xi32, #tpu.memory_space<vmem>>
    %dma_wait3A_435 = tpu.memref_squeeze %dma_wait3A_434 : memref<1x128xi32, #tpu.memory_space<vmem>> -> memref<128xi32, #tpu.memory_space<vmem>>
    %dma_wait3A_436 = arith.constant 0 : i32
    %dma_wait3A_437 = arith.constant 0 : i32
    %dma_wait3A_438 = tpu.memref_slice %arg5[%dma_wait3A_436, %dma_wait3A_437] : memref<1000000x128xf32, #tpu.memory_space<hbm>> -> memref<1000000x128xf32, #tpu.memory_space<hbm>>
    tpu.wait_indirect_dma semaphore(%arg24 : memref<!tpu.dma_semaphore, #tpu.memory_space<semaphore_mem>>) src(%dma_wait3A_438 : memref<1000000x128xf32, #tpu.memory_space<hbm>>) dst(%arg12 : memref<128x128xf32, #tpu.memory_space<vmem>>)
    %dma_wait3A_439 = arith.constant 48 : i32
    %dma_wait3A_440 = arith.constant 0 : i32
    %dma_wait3A_441 = tpu.memref_slice %arg10[%dma_wait3A_439, %dma_wait3A_440] : memref<50x128xi32, #tpu.memory_space<vmem>> -> memref<1x128xi32, #tpu.memory_space<vmem>>
    %dma_wait3A_442 = tpu.memref_squeeze %dma_wait3A_441 : memref<1x128xi32, #tpu.memory_space<vmem>> -> memref<128xi32, #tpu.memory_space<vmem>>
    %dma_wait3A_443 = arith.constant 0 : i32
    %dma_wait3A_444 = arith.constant 0 : i32
    %dma_wait3A_445 = tpu.memref_slice %arg6[%dma_wait3A_443, %dma_wait3A_444] : memref<100000x32xf32, #tpu.memory_space<hbm>> -> memref<100000x32xf32, #tpu.memory_space<hbm>>
    tpu.wait_indirect_dma semaphore(%arg24 : memref<!tpu.dma_semaphore, #tpu.memory_space<semaphore_mem>>) src(%dma_wait3A_445 : memref<100000x32xf32, #tpu.memory_space<hbm>>) dst(%arg13 : memref<128x32xf32, #tpu.memory_space<vmem>>)
    %dma_wait3A_446 = arith.constant 48 : i32
    %dma_wait3A_447 = arith.constant 0 : i32
    %dma_wait3A_448 = tpu.memref_slice %arg11[%dma_wait3A_446, %dma_wait3A_447] : memref<50x128xi32, #tpu.memory_space<vmem>> -> memref<1x128xi32, #tpu.memory_space<vmem>>
    %dma_wait3A_449 = tpu.memref_squeeze %dma_wait3A_448 : memref<1x128xi32, #tpu.memory_space<vmem>> -> memref<128xi32, #tpu.memory_space<vmem>>
    %dma_wait3A_450 = arith.constant 0 : i32
    %dma_wait3A_451 = arith.constant 0 : i32
    %dma_wait3A_452 = tpu.memref_slice %arg7[%dma_wait3A_450, %dma_wait3A_451] : memref<100000x32xf32, #tpu.memory_space<hbm>> -> memref<100000x32xf32, #tpu.memory_space<hbm>>
    tpu.wait_indirect_dma semaphore(%arg24 : memref<!tpu.dma_semaphore, #tpu.memory_space<semaphore_mem>>) src(%dma_wait3A_452 : memref<100000x32xf32, #tpu.memory_space<hbm>>) dst(%arg14 : memref<128x32xf32, #tpu.memory_space<vmem>>)
    %dma_start3A_453 = arith.constant 48 : i32
    %dma_start3A_454 = arith.constant 0 : i32
    %dma_start3A_455 = arith.constant 0 : i32
    %dma_start3A_456 = tpu.memref_slice %arg12[%dma_start3A_454, %dma_start3A_455] : memref<128x128xf32, #tpu.memory_space<vmem>> -> memref<128x64xf32, #tpu.memory_space<vmem>>
    %dma_start3A_457 = arith.constant 0 : i32
    %dma_start3A_458 = tpu.memref_slice %arg8[%dma_start3A_453, %mul3A_2, %dma_start3A_457] : memref<50x4096x128xf32, #tpu.memory_space<hbm>> -> memref<1x128x64xf32, #tpu.memory_space<hbm>>
    %dma_start3A_459 = tpu.memref_squeeze %dma_start3A_458 : memref<1x128x64xf32, #tpu.memory_space<hbm>> -> memref<128x64xf32, #tpu.memory_space<hbm>>
    %dma_start3A_460 = arith.constant 0 : i32
    %dma_start3A_461 = tpu.memref_slice %arg8[%dma_start3A_453, %mul3A_2, %dma_start3A_460] : memref<50x4096x128xf32, #tpu.memory_space<hbm>> -> memref<1x128x64xf32, #tpu.memory_space<hbm>>
    %dma_start3A_462 = tpu.memref_squeeze %dma_start3A_461 : memref<1x128x64xf32, #tpu.memory_space<hbm>> -> memref<128x64xf32, #tpu.memory_space<hbm>>
    %dma_start3A_463 = arith.constant 0 : i32
    %dma_start3A_464 = arith.constant 0 : i32
    %dma_start3A_465 = tpu.memref_slice %arg12[%dma_start3A_463, %dma_start3A_464] : memref<128x128xf32, #tpu.memory_space<vmem>> -> memref<128x64xf32, #tpu.memory_space<vmem>>
    tpu.enqueue_dma source(%dma_start3A_465 : memref<128x64xf32, #tpu.memory_space<vmem>>) target(%dma_start3A_462 : memref<128x64xf32, #tpu.memory_space<hbm>>) target_semaphore(%arg28 : memref<!tpu.dma_semaphore, #tpu.memory_space<semaphore_mem>>)
    %dma_start3A_466 = arith.constant 48 : i32
    %dma_start3A_467 = arith.constant 64 : i32
    %dma_start3A_468 = tpu.memref_slice %arg8[%dma_start3A_466, %mul3A_2, %dma_start3A_467] : memref<50x4096x128xf32, #tpu.memory_space<hbm>> -> memref<1x128x32xf32, #tpu.memory_space<hbm>>
    %dma_start3A_469 = tpu.memref_squeeze %dma_start3A_468 : memref<1x128x32xf32, #tpu.memory_space<hbm>> -> memref<128x32xf32, #tpu.memory_space<hbm>>
    %dma_start3A_470 = arith.constant 64 : i32
    %dma_start3A_471 = tpu.memref_slice %arg8[%dma_start3A_466, %mul3A_2, %dma_start3A_470] : memref<50x4096x128xf32, #tpu.memory_space<hbm>> -> memref<1x128x32xf32, #tpu.memory_space<hbm>>
    %dma_start3A_472 = tpu.memref_squeeze %dma_start3A_471 : memref<1x128x32xf32, #tpu.memory_space<hbm>> -> memref<128x32xf32, #tpu.memory_space<hbm>>
    tpu.enqueue_dma source(%arg13 : memref<128x32xf32, #tpu.memory_space<vmem>>) target(%dma_start3A_472 : memref<128x32xf32, #tpu.memory_space<hbm>>) target_semaphore(%arg28 : memref<!tpu.dma_semaphore, #tpu.memory_space<semaphore_mem>>)
    %dma_start3A_473 = arith.constant 48 : i32
    %dma_start3A_474 = arith.constant 96 : i32
    %dma_start3A_475 = tpu.memref_slice %arg8[%dma_start3A_473, %mul3A_2, %dma_start3A_474] : memref<50x4096x128xf32, #tpu.memory_space<hbm>> -> memref<1x128x32xf32, #tpu.memory_space<hbm>>
    %dma_start3A_476 = tpu.memref_squeeze %dma_start3A_475 : memref<1x128x32xf32, #tpu.memory_space<hbm>> -> memref<128x32xf32, #tpu.memory_space<hbm>>
    %dma_start3A_477 = arith.constant 96 : i32
    %dma_start3A_478 = tpu.memref_slice %arg8[%dma_start3A_473, %mul3A_2, %dma_start3A_477] : memref<50x4096x128xf32, #tpu.memory_space<hbm>> -> memref<1x128x32xf32, #tpu.memory_space<hbm>>
    %dma_start3A_479 = tpu.memref_squeeze %dma_start3A_478 : memref<1x128x32xf32, #tpu.memory_space<hbm>> -> memref<128x32xf32, #tpu.memory_space<hbm>>
    tpu.enqueue_dma source(%arg14 : memref<128x32xf32, #tpu.memory_space<vmem>>) target(%dma_start3A_479 : memref<128x32xf32, #tpu.memory_space<hbm>>) target_semaphore(%arg28 : memref<!tpu.dma_semaphore, #tpu.memory_space<semaphore_mem>>)
    %dma_wait3A_480 = arith.constant 48 : i32
    %dma_wait3A_481 = arith.constant 0 : i32
    %dma_wait3A_482 = arith.constant 0 : i32
    %dma_wait3A_483 = tpu.memref_slice %arg12[%dma_wait3A_481, %dma_wait3A_482] : memref<128x128xf32, #tpu.memory_space<vmem>> -> memref<128x64xf32, #tpu.memory_space<vmem>>
    %dma_wait3A_484 = arith.constant 0 : i32
    %dma_wait3A_485 = tpu.memref_slice %arg8[%dma_wait3A_480, %mul3A_2, %dma_wait3A_484] : memref<50x4096x128xf32, #tpu.memory_space<hbm>> -> memref<1x128x64xf32, #tpu.memory_space<hbm>>
    %dma_wait3A_486 = tpu.memref_squeeze %dma_wait3A_485 : memref<1x128x64xf32, #tpu.memory_space<hbm>> -> memref<128x64xf32, #tpu.memory_space<hbm>>
    %dma_wait3A_487 = arith.constant 0 : i32
    %dma_wait3A_488 = tpu.memref_slice %arg8[%dma_wait3A_480, %mul3A_2, %dma_wait3A_487] : memref<50x4096x128xf32, #tpu.memory_space<hbm>> -> memref<1x128x64xf32, #tpu.memory_space<hbm>>
    %dma_wait3A_489 = tpu.memref_squeeze %dma_wait3A_488 : memref<1x128x64xf32, #tpu.memory_space<hbm>> -> memref<128x64xf32, #tpu.memory_space<hbm>>
    %dma_wait3A_490 = arith.constant 0 : i32
    %dma_wait3A_491 = arith.constant 0 : i32
    %dma_wait3A_492 = tpu.memref_slice %arg12[%dma_wait3A_490, %dma_wait3A_491] : memref<128x128xf32, #tpu.memory_space<vmem>> -> memref<128x64xf32, #tpu.memory_space<vmem>>
    tpu.wait_dma2 semaphore(%arg28 : memref<!tpu.dma_semaphore, #tpu.memory_space<semaphore_mem>>) src(%dma_wait3A_492 : memref<128x64xf32, #tpu.memory_space<vmem>>) dst(%dma_wait3A_489 : memref<128x64xf32, #tpu.memory_space<hbm>>)
    %dma_wait3A_493 = arith.constant 48 : i32
    %dma_wait3A_494 = arith.constant 64 : i32
    %dma_wait3A_495 = tpu.memref_slice %arg8[%dma_wait3A_493, %mul3A_2, %dma_wait3A_494] : memref<50x4096x128xf32, #tpu.memory_space<hbm>> -> memref<1x128x32xf32, #tpu.memory_space<hbm>>
    %dma_wait3A_496 = tpu.memref_squeeze %dma_wait3A_495 : memref<1x128x32xf32, #tpu.memory_space<hbm>> -> memref<128x32xf32, #tpu.memory_space<hbm>>
    %dma_wait3A_497 = arith.constant 64 : i32
    %dma_wait3A_498 = tpu.memref_slice %arg8[%dma_wait3A_493, %mul3A_2, %dma_wait3A_497] : memref<50x4096x128xf32, #tpu.memory_space<hbm>> -> memref<1x128x32xf32, #tpu.memory_space<hbm>>
    %dma_wait3A_499 = tpu.memref_squeeze %dma_wait3A_498 : memref<1x128x32xf32, #tpu.memory_space<hbm>> -> memref<128x32xf32, #tpu.memory_space<hbm>>
    tpu.wait_dma2 semaphore(%arg28 : memref<!tpu.dma_semaphore, #tpu.memory_space<semaphore_mem>>) src(%arg13 : memref<128x32xf32, #tpu.memory_space<vmem>>) dst(%dma_wait3A_499 : memref<128x32xf32, #tpu.memory_space<hbm>>)
    %dma_wait3A_500 = arith.constant 48 : i32
    %dma_wait3A_501 = arith.constant 96 : i32
    %dma_wait3A_502 = tpu.memref_slice %arg8[%dma_wait3A_500, %mul3A_2, %dma_wait3A_501] : memref<50x4096x128xf32, #tpu.memory_space<hbm>> -> memref<1x128x32xf32, #tpu.memory_space<hbm>>
    %dma_wait3A_503 = tpu.memref_squeeze %dma_wait3A_502 : memref<1x128x32xf32, #tpu.memory_space<hbm>> -> memref<128x32xf32, #tpu.memory_space<hbm>>
    %dma_wait3A_504 = arith.constant 96 : i32
    %dma_wait3A_505 = tpu.memref_slice %arg8[%dma_wait3A_500, %mul3A_2, %dma_wait3A_504] : memref<50x4096x128xf32, #tpu.memory_space<hbm>> -> memref<1x128x32xf32, #tpu.memory_space<hbm>>
    %dma_wait3A_506 = tpu.memref_squeeze %dma_wait3A_505 : memref<1x128x32xf32, #tpu.memory_space<hbm>> -> memref<128x32xf32, #tpu.memory_space<hbm>>
    tpu.wait_dma2 semaphore(%arg28 : memref<!tpu.dma_semaphore, #tpu.memory_space<semaphore_mem>>) src(%arg14 : memref<128x32xf32, #tpu.memory_space<vmem>>) dst(%dma_wait3A_506 : memref<128x32xf32, #tpu.memory_space<hbm>>)
    %dma_wait3A_507 = arith.constant 49 : i32
    %dma_wait3A_508 = arith.constant 0 : i32
    %dma_wait3A_509 = tpu.memref_slice %arg9[%dma_wait3A_507, %dma_wait3A_508] : memref<50x128xi32, #tpu.memory_space<vmem>> -> memref<1x128xi32, #tpu.memory_space<vmem>>
    %dma_wait3A_510 = tpu.memref_squeeze %dma_wait3A_509 : memref<1x128xi32, #tpu.memory_space<vmem>> -> memref<128xi32, #tpu.memory_space<vmem>>
    %dma_wait3A_511 = arith.constant 0 : i32
    %dma_wait3A_512 = arith.constant 0 : i32
    %dma_wait3A_513 = tpu.memref_slice %arg5[%dma_wait3A_511, %dma_wait3A_512] : memref<1000000x128xf32, #tpu.memory_space<hbm>> -> memref<1000000x128xf32, #tpu.memory_space<hbm>>
    tpu.wait_indirect_dma semaphore(%arg25 : memref<!tpu.dma_semaphore, #tpu.memory_space<semaphore_mem>>) src(%dma_wait3A_513 : memref<1000000x128xf32, #tpu.memory_space<hbm>>) dst(%arg15 : memref<128x128xf32, #tpu.memory_space<vmem>>)
    %dma_wait3A_514 = arith.constant 49 : i32
    %dma_wait3A_515 = arith.constant 0 : i32
    %dma_wait3A_516 = tpu.memref_slice %arg10[%dma_wait3A_514, %dma_wait3A_515] : memref<50x128xi32, #tpu.memory_space<vmem>> -> memref<1x128xi32, #tpu.memory_space<vmem>>
    %dma_wait3A_517 = tpu.memref_squeeze %dma_wait3A_516 : memref<1x128xi32, #tpu.memory_space<vmem>> -> memref<128xi32, #tpu.memory_space<vmem>>
    %dma_wait3A_518 = arith.constant 0 : i32
    %dma_wait3A_519 = arith.constant 0 : i32
    %dma_wait3A_520 = tpu.memref_slice %arg6[%dma_wait3A_518, %dma_wait3A_519] : memref<100000x32xf32, #tpu.memory_space<hbm>> -> memref<100000x32xf32, #tpu.memory_space<hbm>>
    tpu.wait_indirect_dma semaphore(%arg25 : memref<!tpu.dma_semaphore, #tpu.memory_space<semaphore_mem>>) src(%dma_wait3A_520 : memref<100000x32xf32, #tpu.memory_space<hbm>>) dst(%arg16 : memref<128x32xf32, #tpu.memory_space<vmem>>)
    %dma_wait3A_521 = arith.constant 49 : i32
    %dma_wait3A_522 = arith.constant 0 : i32
    %dma_wait3A_523 = tpu.memref_slice %arg11[%dma_wait3A_521, %dma_wait3A_522] : memref<50x128xi32, #tpu.memory_space<vmem>> -> memref<1x128xi32, #tpu.memory_space<vmem>>
    %dma_wait3A_524 = tpu.memref_squeeze %dma_wait3A_523 : memref<1x128xi32, #tpu.memory_space<vmem>> -> memref<128xi32, #tpu.memory_space<vmem>>
    %dma_wait3A_525 = arith.constant 0 : i32
    %dma_wait3A_526 = arith.constant 0 : i32
    %dma_wait3A_527 = tpu.memref_slice %arg7[%dma_wait3A_525, %dma_wait3A_526] : memref<100000x32xf32, #tpu.memory_space<hbm>> -> memref<100000x32xf32, #tpu.memory_space<hbm>>
    tpu.wait_indirect_dma semaphore(%arg25 : memref<!tpu.dma_semaphore, #tpu.memory_space<semaphore_mem>>) src(%dma_wait3A_527 : memref<100000x32xf32, #tpu.memory_space<hbm>>) dst(%arg17 : memref<128x32xf32, #tpu.memory_space<vmem>>)
    %dma_start3A_528 = arith.constant 49 : i32
    %dma_start3A_529 = arith.constant 0 : i32
    %dma_start3A_530 = arith.constant 0 : i32
    %dma_start3A_531 = tpu.memref_slice %arg15[%dma_start3A_529, %dma_start3A_530] : memref<128x128xf32, #tpu.memory_space<vmem>> -> memref<128x64xf32, #tpu.memory_space<vmem>>
    %dma_start3A_532 = arith.constant 0 : i32
    %dma_start3A_533 = tpu.memref_slice %arg8[%dma_start3A_528, %mul3A_2, %dma_start3A_532] : memref<50x4096x128xf32, #tpu.memory_space<hbm>> -> memref<1x128x64xf32, #tpu.memory_space<hbm>>
    %dma_start3A_534 = tpu.memref_squeeze %dma_start3A_533 : memref<1x128x64xf32, #tpu.memory_space<hbm>> -> memref<128x64xf32, #tpu.memory_space<hbm>>
    %dma_start3A_535 = arith.constant 0 : i32
    %dma_start3A_536 = tpu.memref_slice %arg8[%dma_start3A_528, %mul3A_2, %dma_start3A_535] : memref<50x4096x128xf32, #tpu.memory_space<hbm>> -> memref<1x128x64xf32, #tpu.memory_space<hbm>>
    %dma_start3A_537 = tpu.memref_squeeze %dma_start3A_536 : memref<1x128x64xf32, #tpu.memory_space<hbm>> -> memref<128x64xf32, #tpu.memory_space<hbm>>
    %dma_start3A_538 = arith.constant 0 : i32
    %dma_start3A_539 = arith.constant 0 : i32
    %dma_start3A_540 = tpu.memref_slice %arg15[%dma_start3A_538, %dma_start3A_539] : memref<128x128xf32, #tpu.memory_space<vmem>> -> memref<128x64xf32, #tpu.memory_space<vmem>>
    tpu.enqueue_dma source(%dma_start3A_540 : memref<128x64xf32, #tpu.memory_space<vmem>>) target(%dma_start3A_537 : memref<128x64xf32, #tpu.memory_space<hbm>>) target_semaphore(%arg29 : memref<!tpu.dma_semaphore, #tpu.memory_space<semaphore_mem>>)
    %dma_start3A_541 = arith.constant 49 : i32
    %dma_start3A_542 = arith.constant 64 : i32
    %dma_start3A_543 = tpu.memref_slice %arg8[%dma_start3A_541, %mul3A_2, %dma_start3A_542] : memref<50x4096x128xf32, #tpu.memory_space<hbm>> -> memref<1x128x32xf32, #tpu.memory_space<hbm>>
    %dma_start3A_544 = tpu.memref_squeeze %dma_start3A_543 : memref<1x128x32xf32, #tpu.memory_space<hbm>> -> memref<128x32xf32, #tpu.memory_space<hbm>>
    %dma_start3A_545 = arith.constant 64 : i32
    %dma_start3A_546 = tpu.memref_slice %arg8[%dma_start3A_541, %mul3A_2, %dma_start3A_545] : memref<50x4096x128xf32, #tpu.memory_space<hbm>> -> memref<1x128x32xf32, #tpu.memory_space<hbm>>
    %dma_start3A_547 = tpu.memref_squeeze %dma_start3A_546 : memref<1x128x32xf32, #tpu.memory_space<hbm>> -> memref<128x32xf32, #tpu.memory_space<hbm>>
    tpu.enqueue_dma source(%arg16 : memref<128x32xf32, #tpu.memory_space<vmem>>) target(%dma_start3A_547 : memref<128x32xf32, #tpu.memory_space<hbm>>) target_semaphore(%arg29 : memref<!tpu.dma_semaphore, #tpu.memory_space<semaphore_mem>>)
    %dma_start3A_548 = arith.constant 49 : i32
    %dma_start3A_549 = arith.constant 96 : i32
    %dma_start3A_550 = tpu.memref_slice %arg8[%dma_start3A_548, %mul3A_2, %dma_start3A_549] : memref<50x4096x128xf32, #tpu.memory_space<hbm>> -> memref<1x128x32xf32, #tpu.memory_space<hbm>>
    %dma_start3A_551 = tpu.memref_squeeze %dma_start3A_550 : memref<1x128x32xf32, #tpu.memory_space<hbm>> -> memref<128x32xf32, #tpu.memory_space<hbm>>
    %dma_start3A_552 = arith.constant 96 : i32
    %dma_start3A_553 = tpu.memref_slice %arg8[%dma_start3A_548, %mul3A_2, %dma_start3A_552] : memref<50x4096x128xf32, #tpu.memory_space<hbm>> -> memref<1x128x32xf32, #tpu.memory_space<hbm>>
    %dma_start3A_554 = tpu.memref_squeeze %dma_start3A_553 : memref<1x128x32xf32, #tpu.memory_space<hbm>> -> memref<128x32xf32, #tpu.memory_space<hbm>>
    tpu.enqueue_dma source(%arg17 : memref<128x32xf32, #tpu.memory_space<vmem>>) target(%dma_start3A_554 : memref<128x32xf32, #tpu.memory_space<hbm>>) target_semaphore(%arg29 : memref<!tpu.dma_semaphore, #tpu.memory_space<semaphore_mem>>)
    %dma_wait3A_555 = arith.constant 49 : i32
    %dma_wait3A_556 = arith.constant 0 : i32
    %dma_wait3A_557 = arith.constant 0 : i32
    %dma_wait3A_558 = tpu.memref_slice %arg15[%dma_wait3A_556, %dma_wait3A_557] : memref<128x128xf32, #tpu.memory_space<vmem>> -> memref<128x64xf32, #tpu.memory_space<vmem>>
    %dma_wait3A_559 = arith.constant 0 : i32
    %dma_wait3A_560 = tpu.memref_slice %arg8[%dma_wait3A_555, %mul3A_2, %dma_wait3A_559] : memref<50x4096x128xf32, #tpu.memory_space<hbm>> -> memref<1x128x64xf32, #tpu.memory_space<hbm>>
    %dma_wait3A_561 = tpu.memref_squeeze %dma_wait3A_560 : memref<1x128x64xf32, #tpu.memory_space<hbm>> -> memref<128x64xf32, #tpu.memory_space<hbm>>
    %dma_wait3A_562 = arith.constant 0 : i32
    %dma_wait3A_563 = tpu.memref_slice %arg8[%dma_wait3A_555, %mul3A_2, %dma_wait3A_562] : memref<50x4096x128xf32, #tpu.memory_space<hbm>> -> memref<1x128x64xf32, #tpu.memory_space<hbm>>
    %dma_wait3A_564 = tpu.memref_squeeze %dma_wait3A_563 : memref<1x128x64xf32, #tpu.memory_space<hbm>> -> memref<128x64xf32, #tpu.memory_space<hbm>>
    %dma_wait3A_565 = arith.constant 0 : i32
    %dma_wait3A_566 = arith.constant 0 : i32
    %dma_wait3A_567 = tpu.memref_slice %arg15[%dma_wait3A_565, %dma_wait3A_566] : memref<128x128xf32, #tpu.memory_space<vmem>> -> memref<128x64xf32, #tpu.memory_space<vmem>>
    tpu.wait_dma2 semaphore(%arg29 : memref<!tpu.dma_semaphore, #tpu.memory_space<semaphore_mem>>) src(%dma_wait3A_567 : memref<128x64xf32, #tpu.memory_space<vmem>>) dst(%dma_wait3A_564 : memref<128x64xf32, #tpu.memory_space<hbm>>)
    %dma_wait3A_568 = arith.constant 49 : i32
    %dma_wait3A_569 = arith.constant 64 : i32
    %dma_wait3A_570 = tpu.memref_slice %arg8[%dma_wait3A_568, %mul3A_2, %dma_wait3A_569] : memref<50x4096x128xf32, #tpu.memory_space<hbm>> -> memref<1x128x32xf32, #tpu.memory_space<hbm>>
    %dma_wait3A_571 = tpu.memref_squeeze %dma_wait3A_570 : memref<1x128x32xf32, #tpu.memory_space<hbm>> -> memref<128x32xf32, #tpu.memory_space<hbm>>
    %dma_wait3A_572 = arith.constant 64 : i32
    %dma_wait3A_573 = tpu.memref_slice %arg8[%dma_wait3A_568, %mul3A_2, %dma_wait3A_572] : memref<50x4096x128xf32, #tpu.memory_space<hbm>> -> memref<1x128x32xf32, #tpu.memory_space<hbm>>
    %dma_wait3A_574 = tpu.memref_squeeze %dma_wait3A_573 : memref<1x128x32xf32, #tpu.memory_space<hbm>> -> memref<128x32xf32, #tpu.memory_space<hbm>>
    tpu.wait_dma2 semaphore(%arg29 : memref<!tpu.dma_semaphore, #tpu.memory_space<semaphore_mem>>) src(%arg16 : memref<128x32xf32, #tpu.memory_space<vmem>>) dst(%dma_wait3A_574 : memref<128x32xf32, #tpu.memory_space<hbm>>)
    %dma_wait3A_575 = arith.constant 49 : i32
    %dma_wait3A_576 = arith.constant 96 : i32
    %dma_wait3A_577 = tpu.memref_slice %arg8[%dma_wait3A_575, %mul3A_2, %dma_wait3A_576] : memref<50x4096x128xf32, #tpu.memory_space<hbm>> -> memref<1x128x32xf32, #tpu.memory_space<hbm>>
    %dma_wait3A_578 = tpu.memref_squeeze %dma_wait3A_577 : memref<1x128x32xf32, #tpu.memory_space<hbm>> -> memref<128x32xf32, #tpu.memory_space<hbm>>
    %dma_wait3A_579 = arith.constant 96 : i32
    %dma_wait3A_580 = tpu.memref_slice %arg8[%dma_wait3A_575, %mul3A_2, %dma_wait3A_579] : memref<50x4096x128xf32, #tpu.memory_space<hbm>> -> memref<1x128x32xf32, #tpu.memory_space<hbm>>
    %dma_wait3A_581 = tpu.memref_squeeze %dma_wait3A_580 : memref<1x128x32xf32, #tpu.memory_space<hbm>> -> memref<128x32xf32, #tpu.memory_space<hbm>>
    tpu.wait_dma2 semaphore(%arg29 : memref<!tpu.dma_semaphore, #tpu.memory_space<semaphore_mem>>) src(%arg17 : memref<128x32xf32, #tpu.memory_space<vmem>>) dst(%dma_wait3A_581 : memref<128x32xf32, #tpu.memory_space<hbm>>)
    return
  }
}

module attributes {stable_mosaic.version = 14 : i64} {
  func.func @_w_expand_body(%arg0: i32, %arg1: memref<64x2048xf32, #tpu.memory_space<vmem>>, %arg2: memref<2048x128xf32, #tpu.memory_space<vmem>>) attributes {dimension_semantics = [#tpu.dimension_semantics<arbitrary>], iteration_bounds = array<i64: 489>, scalar_prefetch = 0 : i64, scratch_operands = 0 : i64, tpu.core_type = #tpu.core_type<tc>, window_params = [{transform_indices = @transform_0, window_bounds = array<i64: 64, 2048>}, {transform_indices = @transform_1, window_bounds = array<i64: 2048, 128>}]} {
    %get3A = arith.constant 0 : index
    %get3A_0 = arith.constant 0 : index
    %get3A_1 = vector.load %arg1[%get3A, %get3A_0] : memref<64x2048xf32, #tpu.memory_space<vmem>>, vector<64x2048xf32>
    %transpose3A = tpu.transpose %get3A_1, [1, 0] : vector<64x2048xf32> -> vector<2048x64xf32>
    %swap3A = arith.constant 0 : index
    %swap3A_2 = arith.constant 0 : index
    %swap3A_3 = vector.load %arg2[%swap3A, %swap3A_2] : memref<2048x128xf32, #tpu.memory_space<vmem>>, vector<2048x64xf32>
    tpu.vector_store %arg2[%swap3A, %swap3A_2], %transpose3A {strides = array<i32>} : memref<2048x128xf32, #tpu.memory_space<vmem>>, vector<2048x64xf32>,
    return
  }
  func.func @transform_0(%arg0: i32) -> (i32, i32) {
    %c0_i32 = arith.constant 0 : i32
    %c0_i32_0 = arith.constant 0 : i32
    return %c0_i32, %arg0 : i32, i32
  }
  func.func @transform_1(%arg0: i32) -> (i32, i32) {
    %c0_i32 = arith.constant 0 : i32
    %c0_i32_0 = arith.constant 0 : i32
    return %arg0, %c0_i32 : i32, i32
  }
}

</mosaic_0001>

<sc_bundles>
// kernel: kernel.4.cloned.1.call-start
scs
__scs_entry_jumppad:
0x0: {  	(pc) =	sbr.rel $0x88, $3  }
0x1: {  	(tag) =	ssettag $0x0;
	lr =	simm.s32 $0x1  }
0x2: {  	[smem:$0x3F9B] =	sst lr;
	_ =	strace $0xD0000000  }
0x3: {  	_ = 	snop  }
0x4: {  	_ = 	snop  }
0x5: {  	_ = 	snop  }
0x6: {  	_ = 	snop  }
0x7: {  	_ = 	snop  }
__scs_overlays_trampoline_lowered:
0x8: {  	[smem:$0x3FAA] =	sst s0  }
0x9: {  	[smem:$0x3FAB] =	sst s1  }
0xa: {  	[smem:$0x3FAC] =	sst s2  }
0xb: {  	[smem:$0x3FAD] =	sst s3  }
0xc: {  	[smem:$0x3FAE] =	sst s4  }
0xd: {  	[smem:$0x3FAF] =	sst s5  }
0xe: {  	[smem:$0x3FB0] =	sst s6  }
0xf: {  	[smem:$0x3FB1] =	sst s7  }
0x10: {  	[smem:$0x3FB2] =	sst s8  }
0x11: {  	[smem:$0x3FB3] =	sst s9;
	s0 =	simm.s32 @!p0 $0x0  }
0x12: {  	s1 =	sld [smem:$0x3F99];
	s0 =	simm.s32 @p0 $0x1  }
0x13: {  	[smem:$0x3FB4] =	sst s0;
	s0 =	simm.s32 @!p1 $0x0  }
0x14: {  	s2 =	sld [smem:$0x3F98];
	s0 =	simm.s32 @p1 $0x1  }
0x15: {  	[smem:$0x3FB5] =	sst s0;
	s0 =	simm.s32 @!p2 $0x0  }
0x16: {  	s3 =	sld [smem:$0x3FDB];
	s0 =	simm.s32 @p2 $0x1  }
0x17: {  	s4 =	simm.s32 $0x1BF5;
	[smem:$0x3FB7] =	sst s0  }
0x18: {  	s0 =	sld [smem:$0x3F9A];
	_ =	swait.ge [sflag:s4], $0x0  }
0x19: {  	s7 =	sld [smem:$0x3F9B]  }
0x1a: {  	s8 =	sadd.s32 $0xFFFFE003, lr  }
0x1b: {  	s9 =	sadd.s32 $0xFFFFFEF7, lr;
	s5 =	simm.s32 $0xFFFFFFFF;
	p2 =	slt.u32 s8, $0xFFFFF086  }
0x1c: {  	p1 =	slt.u32 s9, $0xF7A;
	s5 =	simm.s32 @!p2 $0x0  }
0x1d: {  	s5 =	simm.s32 @p1 $0x1;
	p0 =	seq.s32 s7, s2  }
0x1e: {  	s7 =	smul.u32 @!p0 $0xF7A, s2;
	p2 =	seq.s32 @!p0 s5, $0x0  }
0x1f: {  	s9 =	smul.u32 $0xF7A, s1;
	s8 =	simm.s32 @!p0 $0x1BF5;
	p2 =	por !p2, p0  }
0x20: {  	[sflag:s8] =	ssyncset.s32 @!p0 $0xFFFFF086;
	s6 =	sadd.s32 @!p0 s3, s7;
	s7 =	simm.s32 @!p0 $0x108  }
0x21: {  	s3 =	sadd.s32 s3, s9;
	s6 =	sadd.s32 @!p0 $0x88, s6;
	s7 =	simm.s32 @p2 $0x1082  }
0x22: {  	[simem:s7], [sflag:s8] =	dma.local @!p0 [hbm:s6], $0xF7A  }
0x23: {  	s9 =	sor.u32 $0xD0000000, s2;
	s6 =	simm.s32 $0x108;
	_ =	swait.ge @!p0 [sflag:s8], $0x0  }
0x24: {  	s3 =	sadd.s32 $0x88, s3;
	s6 =	simm.s32 @!p1 $0x1082;
	[sflag:s4] =	ssyncset.s32 $0xFFFFF086  }
0x25: {  	[simem:s6], [sflag:s4] =	dma.local [hbm:s3], $0xF7A  }
0x26: {  	[smem:$0x3F9B] =	sst s1;
	(tag) =	ssettag s2;
	_ =	strace s9  }
0x27: {  	s1 =	sld [smem:$0x3FAB]  }
0x28: {  	s2 =	sld [smem:$0x3FAC]  }
0x29: {  	s4 =	sld [smem:$0x3FAE]  }
0x2a: {  	p0 =	seq.s32 s5, $0x0;
	s5 =	sld [smem:$0x3FAF]  }
0x2b: {  	s6 =	sld [smem:$0x3FB0]  }
0x2c: {  	s7 =	sld [smem:$0x3FB1]  }
0x2d: {  	s3 =	simm.s32 $0x108;
	s8 =	sld [smem:$0x3FB2]  }
0x2e: {  	s3 =	simm.s32 @!p0 $0x1082;
	s9 =	sld [smem:$0x3FB3]  }
0x2f: {  	lr =	sadd.s32 s0, s3;
	s0 =	sld [smem:$0x3FAA]  }
0x30: {  	s3 =	sld [smem:$0x3FAD]  }
0x31: {  	[smem:$0x3FB6] =	sst s10  }
0x32: {  	s10 =	sld [smem:$0x3FB4];
	_ =	sdelay $0x3  }
0x33: {  	p0 =	seq.s32 s10, $0x1;
	s10 =	sld [smem:$0x3FB6];
	_ =	sdelay $0x3  }
0x34: {  	[smem:$0x3FB6] =	sst s10  }
0x35: {  	s10 =	sld [smem:$0x3FB5];
	_ =	sdelay $0x3  }
0x36: {  	p1 =	seq.s32 s10, $0x1;
	s10 =	sld [smem:$0x3FB6];
	_ =	sdelay $0x3  }
0x37: {  	[smem:$0x3FB6] =	sst s10  }
0x38: {  	s10 =	sld [smem:$0x3FB7]  }
0x39: {  	_ = 	snop;
	(pc) =	sbr.ind lr, $3  }
0x3a: {  	_ = 	snop  }
0x3b: {  	_ = 	snop  }
0x3c: {  	p2 =	seq.s32 s10, $0x1;
	s10 =	sld [smem:$0x3FB6]  }
0x3d: {  	_ =	shalt  }
0x3e: {  	_ =	shalt  }
0x3f: {  	_ =	shalt  }
0x40: {  	_ =	shalt  }
0x41: {  	_ =	shalt  }
0x42: {  	_ =	shalt  }
0x43: {  	_ =	shalt  }
0x44: {  	_ =	shalt  }
0x45: {  	_ =	shalt  }
0x46: {  	_ =	shalt  }
0x47: {  	_ =	shalt  }
0x48: {  	_ =	shalt  }
0x49: {  	_ =	shalt  }
0x4a: {  	_ =	shalt  }
0x4b: {  	_ =	shalt  }
0x4c: {  	_ =	shalt  }
0x4d: {  	_ =	shalt  }
0x4e: {  	_ =	shalt  }
0x4f: {  	_ =	shalt  }
0x50: {  	_ =	shalt  }
0x51: {  	_ =	shalt  }
0x52: {  	_ =	shalt  }
0x53: {  	_ =	shalt  }
0x54: {  	_ =	shalt  }
0x55: {  	_ =	shalt  }
0x56: {  	_ =	shalt  }
0x57: {  	_ =	shalt  }
0x58: {  	_ =	shalt  }
0x59: {  	_ =	shalt  }
0x5a: {  	_ =	shalt  }
0x5b: {  	_ =	shalt  }
0x5c: {  	_ =	shalt  }
0x5d: {  	_ =	shalt  }
0x5e: {  	_ =	shalt  }
0x5f: {  	_ =	shalt  }
0x60: {  	_ =	shalt  }
0x61: {  	_ =	shalt  }
0x62: {  	_ =	shalt  }
0x63: {  	_ =	shalt  }
0x64: {  	_ =	shalt  }
0x65: {  	_ =	shalt  }
0x66: {  	_ =	shalt  }
0x67: {  	_ =	shalt  }
0x68: {  	_ =	shalt  }
0x69: {  	_ =	shalt  }
0x6a: {  	_ =	shalt  }
0x6b: {  	_ =	shalt  }
0x6c: {  	_ =	shalt  }
0x6d: {  	_ =	shalt  }
0x6e: {  	_ =	shalt  }
0x6f: {  	_ =	shalt  }
0x70: {  	_ =	shalt  }
0x71: {  	_ =	shalt  }
0x72: {  	_ =	shalt  }
0x73: {  	_ =	shalt  }
0x74: {  	_ =	shalt  }
0x75: {  	_ =	shalt  }
0x76: {  	_ =	shalt  }
0x77: {  	_ =	shalt  }
0x78: {  	_ =	shalt  }
0x79: {  	_ =	shalt  }
0x7a: {  	_ =	shalt  }
0x7b: {  	_ =	shalt  }
0x7c: {  	_ =	shalt  }
0x7d: {  	_ =	shalt  }
0x7e: {  	_ =	shalt  }
0x7f: {  	_ =	shalt  }
0x80: {  	_ =	shalt  }
0x81: {  	_ =	shalt  }
0x82: {  	_ =	shalt  }
0x83: {  	_ =	shalt  }
0x84: {  	_ =	shalt  }
0x85: {  	_ =	shalt  }
0x86: {  	_ =	shalt  }
0x87: {  	_ =	shalt  }
.Lfunc_end0:
.L_simem_size_0:
called_computation_lowered:
.L_overlay_start_0:
0x88: {  	s2 =	sld [smem:$0x3FD9]  }
0x89: {  	s3 =	sld [smem:$0x3FFE];
	_ =	sdelay $0x1  }
0x8a: {  	s1 =	srdreg.scid  }
0x8b: {  	s0 =	sand.u32 $0x1, s1  }
0x8c: {  	s17 =	sshll.u32 s0, $0xA;
	s2 =	sadd.s32 s3, s2  }
0x8d: {  	s2 =	sadd.s32 s2, s17  }
0x8e: {  	[smem:$0x3FC2] =	sst s2  }
0x8f: {  	_ = 	snop  }
0x90: {  	s2 =	sld [smem:$0x3FD0];
	(tm) =	ssettm $0x1  }
0x91: {  	s18 =	sld [smem:$0x3FFB];
	_ =	sdelay $0x3  }
0x92: {  	_ =	strace s18  }
0x93: {  	s3 =	sld [smem:$0x3FFC];
	_ =	sdelay $0x3  }
0x94: {  	_ =	strace s3  }
0x95: {  	s3 =	sld [smem:$0x3FFD];
	_ =	sdelay $0x3  }
0x96: {  	_ =	strace s3  }
0x97: {  	_ =	strace $0x8FFFFFFF  }
0x98: {  	s19 =	sld [smem:$0x3FDB];
	_ =	sdelay $0x1  }
0x99: {  	s4 =	simm.s32 $_scs_section_size  }
0x9a: {  	s5 =	simm.s32 $_size__tile_overlayer_lowered;
	s6 =	simm.s32 $_tile_overlayer_lowered  }
0x9b: {  	s22 =	simm.s32 $0x1BFF;
	s21 =	sshll.u32 s6, $0x1;
	s3 =	sadd.s32 s4, s19  }
0x9c: {  	s7 =	simm.s32 $0x0;
	s20 =	sshll.u32 s5, $0x1;
	s5 =	sadd.s32 s21, s3  }
0x9d: {  	[timem:s7], [sflag:s22] =	dma.local [hbm:s5], s20  }
0x9e: {  	_ =	swait.ge [sflag:s22], s20  }
0x9f: {  	s4 =	ssub.s32 $0x0, s20;
	[sflag:s22] =	ssyncset.done $0x0  }
0xa0: {  	[sflag:s22] =	ssyncadd.s32 s4;
	_ =	sdelay $0x1  }
0xa1: {  	s23 =	simm.s32 $0x1B8B  }
0xa2: {  	_ =	swait.ge [sflag:s23], $0x1  }
0xa3: {  	[sflag:s23] =	ssyncset.done $0x0  }
0xa4: {  	s25 =	simm.s32 $0x1B8E;
	s24 =	sld [smem:$0x3FFE];
	[sflag:s23] =	ssyncadd.s32 $0xFFFFFFFF  }
0xa5: {  	s26 =	simm.s32 $execute0_lowered;
	[smem:$0x3FD2] =	sst s25  }
0xa6: {  	s5 =	sshll.u32 s26, $0x1;
	_ =	strace $0x80000046;
	[dreg:$0x1] =	wrdreg $0xFFFFFFFF  }
0xa7: {  	s28 =	simm.s32 $_size_execute0_lowered;
	s3 =	sadd.s32 s3, s5;
	[dreg:$0x0] =	wrdreg $0x0  }
0xa8: {  	s5 =	sshll.u32 s28, $0x1;
	[dreg:$0x2] =	wrdreg s3  }
0xa9: {  	[dreg:$0x3] =	wrdreg s5  }
0xaa: {  	[dreg:$0x4] =	wrdreg $0xC0  }
0xab: {  	_ =	task [dreg:s7], $0x5FFFF  }
0xac: {  	[dreg:$0x1] =	wrdreg $0xFFFFFFFF  }
0xad: {  	[dreg:$0x0] =	wrdreg $0x60  }
0xae: {  	[dreg:$0x2] =	wrdreg s24  }
0xaf: {  	[dreg:$0x3] =	wrdreg s2  }
0xb0: {  	[dreg:$0x4] =	wrdreg $0x9  }
0xb1: {  	_ =	task.clear_ibuf [dreg:s7], $0x5FFFF;
	_ =	strace $0x90000046  }
0xb2: {  	s29 =	simm.s32 $0x9;
	_ =	strace $0x80000048  }
0xb3: {  	_ =	swait.ge [sflag:s29], $0x1  }
0xb4: {  	[sflag:s29] =	ssyncadd.s32 $0xFFFFFFFF  }
0xb5: {  	_ =	strace $0x90000048  }
0xb6: {  	_ =	sfence  }
0xb7: {  	s30 =	sld [smem:$0x0];
	_ =	sdelay $0x2  }
0xb8: {  	s31 =	sshll.u32 s1, $0xD;
	s1 =	sshrl.u32 s1, $0x2  }
0xb9: {  	s3 =	sand.u32 $0x4000, s31;
	s1 =	sadd.s32 s1, s30  }
0xba: {  	s0 =	sor.u32 s3, s0;
	s1 =	sshll.u32 s1, $0x11  }
0xbb: {  	s0 =	sor.u32 s1, s0  }
0xbc: {  	s0 =	sadd.s32 $0x8F2B, s0  }
0xbd: {  	[sflag:s0] =	ssyncadd.remote.s32 $0x1  }
0xbe: {  	_ =	sfence.sel $0xFFFF  }
0xbf: {  	[dreg:$0x0] =	wrdreg $0xFFFFFFFF;
	(pc) =	sbr.abs _section_cstart, $3  }
0xc0: {  	[dreg:$0x1] =	wrdreg $0xFFFFFFFF  }
0xc1: {  	_ =	task.clear_ibuf [dreg:s7], $0x2FFFF;
	_ =	strace $0x9FFFFFFF  }
0xc2: {  	(tm) =	ssettm $0x7FFFFFFF  }
0xc3: {  	_ =	shalt  }
tec
execute0_lowered:
.L_overlay_start_1:
0x0: {  	(tag) =	ssettag $0x1  }
0x1: {  	s0 =	rddreg [dreg:$0x0]  }
0x2: {  	s8 =	rddreg [dreg:$0x1];
	s1 =	srdreg.scid  }
0x3: {  	s2 =	stileid.u32;
	s3 =	simm.s32 $0x0;
	s1 =	sand.u32 $0x1, s1  }
0x4: {  	s2 =	sshll.u32 s2, $0x8;
	[smem:$0x7FF] =	sst s3;
	s5 =	sadd.s32 $0x14000, s0  }
0x5: {  	s6 =	sadd.s32 $0x75C00, s0;
	s10 =	sadd.s32 $0x8, s8;
	s11 =	sadd.s32 $0xC, s8  }
0x6: {  	s4 =	sshll.u32 s1, $0x7;
	_ =	strace $0x80000047;
	[dreg:$0x14] =	wrdreg s10  }
0x7: {  	s1 =	ssub.s32 $0x2, s1;
	[dreg:$0x15] =	wrdreg s11;
	s2 =	sor.u32 s4, s2  }
0x8: {  	s18 =	sshrl.u32 s1, $0x1;
	s4 =	sshrl.u32 s2, $0x3;
	s14 =	sshll.u32 s2, $0x4  }
0x9: {  	s1 =	ssub.s32 s1, s18;
	s2 =	sshll.u32 s2, $0x7;
	s18 =	sadd.s32 $0x20000, s8  }
0xa: {  	s7 =	sadd.s32 s4, s0;
	s4 =	sadd.s32 $0xD7800, s0;
	[dreg:$0xe] =	wrdreg s2  }
0xb: {  	s0 =	sadd.s32 s14, s8;
	s14 =	sadd.s32 $0x10000, s8;
	[dreg:$0x19] =	wrdreg s18  }
0xc: {  	s13 =	sadd.s32 $0x1400, s7;
	[dreg:$0x16] =	wrdreg s14  }
0xd: {  	s9 =	sadd.s32 $0x7800, s7;
	[dreg:$0x3] =	wrdreg s13  }
0xe: {  	s7 =	sadd.s32 $0xDC00, s7;
	[dreg:$0x4] =	wrdreg s9  }
0xf: {  	s15 =	sadd.s32 $0x2C0008, s0;
	[dreg:$0x5] =	wrdreg s7  }
0x10: {  	s16 =	sadd.s32 $0x2C000C, s0;
	[dreg:$0x6] =	wrdreg s15  }
0x11: {  	s17 =	sadd.s32 $0x2D0008, s0;
	[dreg:$0x7] =	wrdreg s16  }
0x12: {  	s20 =	sadd.s32 $0x2D000C, s0;
	[dreg:$0x8] =	wrdreg s17  }
0x13: {  	s21 =	sadd.s32 $0x2E0008, s0;
	[dreg:$0x9] =	wrdreg s20  }
0x14: {  	s30 =	simm.s32 $0xEB00;
	s22 =	sadd.s32 $0x2E000C, s0;
	[dreg:$0xa] =	wrdreg s21  }
0x15: {  	s12 =	sadd.s32 $0x2C0000, s0;
	s23 =	sadd.s32 $0x2F0008, s0;
	[dreg:$0xb] =	wrdreg s22  }
0x16: {  	s19 =	sadd.s32 $0x2F0000, s0;
	s24 =	sadd.s32 $0x2F000C, s0;
	[dreg:$0xc] =	wrdreg s23  }
0x17: {  	s25 =	sadd.s32 $0x300008, s0;
	s26 =	sadd.s32 $0x30000C, s0;
	[dreg:$0xd] =	wrdreg s24  }
0x18: {  	s13 =	sadd.s32 $0x2D0000, s0;
	s17 =	sadd.s32 $0x2E0000, s0;
	[dreg:$0xf] =	wrdreg s25  }
0x19: {  	[dreg:$0x10] =	wrdreg s26;
	s25 =	sadd.s32 $0x300000, s0;
	s7 =	sadd.s32 $0x310008, s0  }
0x1a: {  	s26 =	sadd.s32 $0x310000, s0;
	s0 =	sadd.s32 $0x31000C, s0;
	[dreg:$0x11] =	wrdreg s7  }
0x1b: {  	s28 =	simm.s32 $0x1AB00;
	s9 =	smax.u32 s1, $0x1;
	[dreg:$0x12] =	wrdreg s0  }
0x1c: {  	s29 =	simm.s32 $0x1BB00;
	s15 =	sadd.s32 $0x10008, s8;
	[dreg:$0x13] =	wrdreg s9  }
0x1d: {  	s31 =	simm.s32 $0x20;
	s16 =	sadd.s32 $0x1000C, s8;
	[dreg:$0x17] =	wrdreg s15  }
0x1e: {  	s10 =	simm.s32 $0x4;
	s20 =	sadd.s32 $0x20008, s8;
	[dreg:$0x18] =	wrdreg s16  }
0x1f: {  	s11 =	simm.s32 $0x8;
	s21 =	sadd.s32 $0x2000C, s8;
	[dreg:$0x1a] =	wrdreg s20  }
0x20: {  	s18 =	simm.s32 $0x80;
	s22 =	sadd.s32 $0x30000, s8;
	[dreg:$0x1b] =	wrdreg s21  }
0x21: {  	s14 =	simm.s32 $0x0;
	s23 =	sadd.s32 $0x30008, s8;
	[dreg:$0x1c] =	wrdreg s22  }
0x22: {  	s24 =	sadd.s32 $0x3000C, s8;
	s1 =	simm.s32 $0x2;
	[dreg:$0x1d] =	wrdreg s23  }
0x23: {  	s8 =	simm.s32 $0x3;
	[dreg:$0x1e] =	wrdreg s24;
	s20 =	simm.s32 $0xFB00  }
0x24: {  	s23 =	simm.s32 $0x14B00;
	s24 =	simm.s32 $0x15B00;
	s22 =	simm.s32 $0x1  }
0x25: {  	s0 =	simm.s32 $0x5;
	s7 =	simm.s32 $0x6;
	s9 =	simm.s32 $0x7  }
.LBB2_1:
0x26: {  	[dreg:$0x1f] =	wrdreg s14  }
0x27: {  	s2 =	rddreg [dreg:$0x3];
	s14 =	simm.s32 $0x1000;
	s15 =	simm.s32 $0x9  }
0x28: {  	[tilespmem:s3], [sflag:$0x9] =	stream.strided.gather [hbm4b:s2+s18], $0x1900, s14, s18, $0x38;
	[tilespmem:$0x1CB00] =	vst v63  }
0x29: {  	_ =	swait.ge [sflag:s15], $0x1900  }
0x2a: {  	[sflag:s15] =	ssyncset.done $0x0  }
0x2b: {  	s16 =	simm.s32 $0x1900;
	s21 =	rddreg [dreg:$0x4];
	[sflag:s15] =	ssyncadd.s32 $0xFFFFE700  }
0x2c: {  	[tilespmem:s16], [sflag:$0x9] =	stream.strided.gather [hbm4b:s21+s18], $0x1900, s14, s18, $0x38;
	[tilespmem:$0x1CB00] =	vst v63  }
0x2d: {  	_ =	swait.ge [sflag:s15], $0x1900  }
0x2e: {  	[sflag:s15] =	ssyncset.done $0x0  }
0x2f: {  	s21 =	simm.s32 $0x3200;
	s2 =	rddreg [dreg:$0x5];
	[sflag:s15] =	ssyncadd.s32 $0xFFFFE700  }
0x30: {  	[tilespmem:s21], [sflag:$0x9] =	stream.strided.gather [hbm4b:s2+s18], $0x1900, s14, s18, $0x38;
	[tilespmem:$0x1CB00] =	vst v63  }
0x31: {  	_ =	swait.ge [sflag:s15], $0x1900  }
0x32: {  	[sflag:s15] =	ssyncset.done $0x0  }
0x33: {  	s14 =	simm.s32 $0x4B00;
	[sflag:s15] =	ssyncadd.s32 $0xFFFFE700  }
0x34: {  	[tilespmem:s14], [sflag:$0x1] =	stream.indirect.gather [hbm4b:s4+s18], $0x80, s3, s18, $0xb8;
	[tilespmem:$0x1CB00] =	vst v63  }
0x35: {  	s15 =	simm.s32 $0x8B00  }
0x36: {  	[tilespmem:s15], [sflag:$0x1] =	stream.indirect.gather [hbm4b:s5+s18], $0x20, s16, s18, $0xb8;
	[tilespmem:$0x1CB00] =	vst v63  }
0x37: {  	s16 =	simm.s32 $0x9B00  }
0x38: {  	[tilespmem:s16], [sflag:$0x1] =	stream.indirect.gather [hbm4b:s6+s18], $0x20, s21, s18, $0xb8;
	[tilespmem:$0x1CB00] =	vst v63  }
0x39: {  	s14 =	simm.s32 $0xAB00  }
0x3a: {  	[tilespmem:s14], [sflag:$0x2] =	stream.indirect.gather [hbm4b:s4+s18], $0x80, s18, s18, $0xb8;
	[tilespmem:$0x1CB00] =	vst v63  }
0x3b: {  	s15 =	simm.s32 $0x1980  }
0x3c: {  	[tilespmem:s30], [sflag:$0x2] =	stream.indirect.gather [hbm4b:s5+s18], $0x20, s15, s18, $0xb8;
	[tilespmem:$0x1CB00] =	vst v63  }
0x3d: {  	s16 =	simm.s32 $0x3280  }
0x3e: {  	[tilespmem:s20], [sflag:$0x2] =	stream.indirect.gather [hbm4b:s6+s18], $0x20, s16, s18, $0xb8;
	[tilespmem:$0x1CB00] =	vst v63  }
0x3f: {  	s21 =	simm.s32 $0x100;
	s30 =	simm.s32 $0x10B00  }
0x40: {  	[tilespmem:s30], [sflag:$0x3] =	stream.indirect.gather [hbm4b:s4+s18], $0x80, s21, s18, $0xb8;
	[tilespmem:$0x1CB00] =	vst v63  }
0x41: {  	s15 =	simm.s32 $0x1A00  }
0x42: {  	[tilespmem:s23], [sflag:$0x3] =	stream.indirect.gather [hbm4b:s5+s18], $0x20, s15, s18, $0xb8;
	[tilespmem:$0x1CB00] =	vst v63  }
0x43: {  	s16 =	simm.s32 $0x3300  }
0x44: {  	[tilespmem:s24], [sflag:$0x3] =	stream.indirect.gather [hbm4b:s6+s18], $0x20, s16, s18, $0xb8;
	[tilespmem:$0x1CB00] =	vst v63  }
0x45: {  	s21 =	simm.s32 $0x180;
	s23 =	simm.s32 $0x16B00  }
0x46: {  	[tilespmem:s23], [sflag:$0x4] =	stream.indirect.gather [hbm4b:s4+s18], $0x80, s21, s18, $0xb8;
	[tilespmem:$0x1CB00] =	vst v63  }
0x47: {  	s24 =	simm.s32 $0x1A80  }
0x48: {  	[tilespmem:s28], [sflag:$0x4] =	stream.indirect.gather [hbm4b:s5+s18], $0x20, s24, s18, $0xb8;
	[tilespmem:$0x1CB00] =	vst v63  }
0x49: {  	s14 =	simm.s32 $0x0;
	s30 =	simm.s32 $0x3380  }
0x4a: {  	[tilespmem:s29], [sflag:$0x4] =	stream.indirect.gather [hbm4b:s6+s18], $0x20, s30, s18, $0xb8;
	[tilespmem:$0x1CB00] =	vst v63  }
.LBB2_2:
0x4b: {  	_ =	swait.ge [sflag:s22], $0x4000  }
0x4c: {  	[sflag:s22] =	ssyncset.done $0x0  }
0x4d: {  	[sflag:s22] =	ssyncadd.s32 $0xFFFFC000  }
0x4e: {  	_ =	swait.ge [sflag:s22], $0x1000  }
0x4f: {  	[sflag:s22] =	ssyncset.done $0x0  }
0x50: {  	[sflag:s22] =	ssyncadd.s32 $0xFFFFF000  }
0x51: {  	_ =	swait.ge [sflag:s22], $0x1000  }
0x52: {  	s2 =	sshll.u32 s14, $0x15;
	s15 =	rddreg [dreg:$0xe];
	[sflag:s22] =	ssyncset.done $0x0  }
0x53: {  	s2 =	sor.u32 s15, s2;
	[sflag:s22] =	ssyncadd.s32 $0xFFFFF000  }
0x54: {  	s15 =	sshrl.u32 s2, $0x3;
	s30 =	rddreg [dreg:$0x1]  }
0x55: {  	s21 =	simm.s32 $0x10;
	s16 =	sadd.s32 s30, s15  }
0x56: {  	s28 =	simm.s32 $0x4B80;
	s2 =	simm.s32 $0x4B00;
	s29 =	sadd.s32 $0x0, s16  }
.LBB2_3:
0x57: {  	[hbm4b:s29+s3] =	stream.linear.scatter [tilespmem:s2], [sflag:$0x5], $0x40, $0x38;
	[tilespmem:$0x1CB00] =	vst v63  }
0x58: {  	s29 =	smov.u32 s21;
	s2 =	smov.u32 s28;
	p0 =	sne.s32 s21, $0x7F0  }
.Ltmp0:
0x59: {  	s21 =	sadd.s32 $0x10, s21;
	(pc) =	sbr.rel @p0 .LBB2_3-.Ltmp0, $2  }
0x5a: {  	_ =	sdelay $0x2  }
0x5b: {  	s28 =	sadd.s32 $0x80, s28;
	s29 =	sadd.s32 s29, s16  }
0x5c: {  	[hbm4b:s29+s3] =	stream.linear.scatter [tilespmem:s2], [sflag:$0x5], $0x40, $0x38;
	[tilespmem:$0x1CB00] =	vst v63  }
0x5d: {  	s21 =	rddreg [dreg:$0x14]  }
0x5e: {  	s28 =	simm.s32 $0x8B00;
	s23 =	rddreg [dreg:$0x15];
	s2 =	sadd.s32 s15, s21  }
0x5f: {  	[hbm4b:s2+s31] =	stream.strided.scatter [tilespmem:s28], [sflag:$0x5], $0x1000, s18, s31, $0x38;
	[tilespmem:$0x1CB00] =	vst v63  }
0x60: {  	s29 =	simm.s32 $0x9B00;
	s2 =	sadd.s32 s15, s23  }
0x61: {  	[hbm4b:s2+s31] =	stream.strided.scatter [tilespmem:s29], [sflag:$0x5], $0x1000, s18, s31, $0x38;
	[tilespmem:$0x1CB00] =	vst v63  }
0x62: {  	_ =	swait.ge [sflag:s0], $0x2000  }
0x63: {  	[sflag:s0] =	ssyncset.done $0x0  }
0x64: {  	[sflag:s0] =	ssyncadd.s32 $0xFFFFE000  }
0x65: {  	_ =	swait.ge [sflag:s0], $0x1000  }
0x66: {  	[sflag:s0] =	ssyncset.done $0x0  }
0x67: {  	[sflag:s0] =	ssyncadd.s32 $0xFFFFF000  }
0x68: {  	_ =	swait.ge [sflag:s0], $0x1000  }
0x69: {  	s16 =	sshll.u32 s14, $0x9;
	[sflag:s0] =	ssyncset.done $0x0  }
0x6a: {  	s24 =	sadd.s32 $0x200, s16;
	s21 =	simm.s32 $0x4B00;
	[sflag:s0] =	ssyncadd.s32 $0xFFFFF000  }
0x6b: {  	[tilespmem:s21], [sflag:$0x1] =	stream.indirect.gather [hbm4b:s4+s18], $0x80, s24, s18, $0xb8;
	[tilespmem:$0x1CB00] =	vst v63  }
0x6c: {  	s21 =	sadd.s32 $0x1B00, s16  }
0x6d: {  	[tilespmem:s28], [sflag:$0x1] =	stream.indirect.gather [hbm4b:s5+s18], $0x20, s21, s18, $0xb8;
	[tilespmem:$0x1CB00] =	vst v63  }
0x6e: {  	s23 =	sadd.s32 $0x3400, s16  }
0x6f: {  	[tilespmem:s29], [sflag:$0x1] =	stream.indirect.gather [hbm4b:s6+s18], $0x20, s23, s18, $0xb8;
	[tilespmem:$0x1CB00] =	vst v63  }
0x70: {  	_ =	swait.ge [sflag:s1], $0x4000  }
0x71: {  	[sflag:s1] =	ssyncset.done $0x0  }
0x72: {  	[sflag:s1] =	ssyncadd.s32 $0xFFFFC000  }
0x73: {  	_ =	swait.ge [sflag:s1], $0x1000  }
0x74: {  	[sflag:s1] =	ssyncset.done $0x0  }
0x75: {  	[sflag:s1] =	ssyncadd.s32 $0xFFFFF000  }
0x76: {  	_ =	swait.ge [sflag:s1], $0x1000  }
0x77: {  	s21 =	simm.s32 $0xAB00;
	s24 =	rddreg [dreg:$0x16]  }
0x78: {  	s28 =	simm.s32 $0x10;
	[sflag:s1] =	ssyncset.done $0x0;
	s2 =	sadd.s32 s15, s24  }
0x79: {  	s29 =	simm.s32 $0xAB80;
	[sflag:s1] =	ssyncadd.s32 $0xFFFFF000;
	s30 =	sadd.s32 $0x0, s2  }
.LBB2_5:
0x7a: {  	[hbm4b:s30+s3] =	stream.linear.scatter [tilespmem:s21], [sflag:$0x6], $0x40, $0x38;
	[tilespmem:$0x1CB00] =	vst v63  }
0x7b: {  	s30 =	smov.u32 s28;
	s21 =	smov.u32 s29;
	p0 =	sne.s32 s28, $0x7F0  }
.Ltmp1:
0x7c: {  	s28 =	sadd.s32 $0x10, s28;
	(pc) =	sbr.rel @p0 .LBB2_5-.Ltmp1, $2  }
0x7d: {  	_ =	sdelay $0x2  }
0x7e: {  	s29 =	sadd.s32 $0x80, s29;
	s30 =	sadd.s32 s30, s2  }
0x7f: {  	[hbm4b:s30+s3] =	stream.linear.scatter [tilespmem:s21], [sflag:$0x6], $0x40, $0x38;
	[tilespmem:$0x1CB00] =	vst v63  }
0x80: {  	s2 =	rddreg [dreg:$0x17]  }
0x81: {  	s23 =	simm.s32 $0xEB00;
	s24 =	rddreg [dreg:$0x18];
	s2 =	sadd.s32 s15, s2  }
0x82: {  	[hbm4b:s2+s31] =	stream.strided.scatter [tilespmem:s23], [sflag:$0x6], $0x1000, s18, s31, $0x38;
	[tilespmem:$0x1CB00] =	vst v63  }
0x83: {  	s2 =	sadd.s32 s15, s24  }
0x84: {  	[hbm4b:s2+s31] =	stream.strided.scatter [tilespmem:s20], [sflag:$0x6], $0x1000, s18, s31, $0x38;
	[tilespmem:$0x1CB00] =	vst v63  }
0x85: {  	_ =	swait.ge [sflag:s7], $0x2000  }
0x86: {  	[sflag:s7] =	ssyncset.done $0x0  }
0x87: {  	[sflag:s7] =	ssyncadd.s32 $0xFFFFE000  }
0x88: {  	_ =	swait.ge [sflag:s7], $0x1000  }
0x89: {  	[sflag:s7] =	ssyncset.done $0x0  }
0x8a: {  	[sflag:s7] =	ssyncadd.s32 $0xFFFFF000  }
0x8b: {  	_ =	swait.ge [sflag:s7], $0x1000  }
0x8c: {  	[sflag:s7] =	ssyncset.done $0x0  }
0x8d: {  	s21 =	sadd.s32 $0x280, s16;
	s24 =	simm.s32 $0xAB00;
	[sflag:s7] =	ssyncadd.s32 $0xFFFFF000  }
0x8e: {  	[tilespmem:s24], [sflag:$0x2] =	stream.indirect.gather [hbm4b:s4+s18], $0x80, s21, s18, $0xb8;
	[tilespmem:$0x1CB00] =	vst v63  }
0x8f: {  	s21 =	sadd.s32 $0x1B80, s16  }
0x90: {  	[tilespmem:s23], [sflag:$0x2] =	stream.indirect.gather [hbm4b:s5+s18], $0x20, s21, s18, $0xb8;
	[tilespmem:$0x1CB00] =	vst v63  }
0x91: {  	s23 =	sadd.s32 $0x3480, s16  }
0x92: {  	[tilespmem:s20], [sflag:$0x2] =	stream.indirect.gather [hbm4b:s6+s18], $0x20, s23, s18, $0xb8;
	[tilespmem:$0x1CB00] =	vst v63  }
0x93: {  	_ =	swait.ge [sflag:s8], $0x4000  }
0x94: {  	[sflag:s8] =	ssyncset.done $0x0  }
0x95: {  	[sflag:s8] =	ssyncadd.s32 $0xFFFFC000  }
0x96: {  	_ =	swait.ge [sflag:s8], $0x1000  }
0x97: {  	[sflag:s8] =	ssyncset.done $0x0  }
0x98: {  	[sflag:s8] =	ssyncadd.s32 $0xFFFFF000  }
0x99: {  	_ =	swait.ge [sflag:s8], $0x1000  }
0x9a: {  	s28 =	simm.s32 $0x10;
	s24 =	rddreg [dreg:$0x19]  }
0x9b: {  	s29 =	simm.s32 $0x10B80;
	[sflag:s8] =	ssyncset.done $0x0;
	s2 =	sadd.s32 s15, s24  }
0x9c: {  	s21 =	simm.s32 $0x10B00;
	[sflag:s8] =	ssyncadd.s32 $0xFFFFF000;
	s30 =	sadd.s32 $0x0, s2  }
.LBB2_7:
0x9d: {  	[hbm4b:s30+s3] =	stream.linear.scatter [tilespmem:s21], [sflag:$0x7], $0x40, $0x38;
	[tilespmem:$0x1CB00] =	vst v63  }
0x9e: {  	s30 =	smov.u32 s28;
	s21 =	smov.u32 s29;
	p0 =	sne.s32 s28, $0x7F0  }
.Ltmp2:
0x9f: {  	s28 =	sadd.s32 $0x10, s28;
	(pc) =	sbr.rel @p0 .LBB2_7-.Ltmp2, $2  }
0xa0: {  	_ =	sdelay $0x2  }
0xa1: {  	s29 =	sadd.s32 $0x80, s29;
	s30 =	sadd.s32 s30, s2  }
0xa2: {  	[hbm4b:s30+s3] =	stream.linear.scatter [tilespmem:s21], [sflag:$0x7], $0x40, $0x38;
	[tilespmem:$0x1CB00] =	vst v63  }
0xa3: {  	s2 =	rddreg [dreg:$0x1a]  }
0xa4: {  	s28 =	simm.s32 $0x14B00;
	s24 =	rddreg [dreg:$0x1b];
	s2 =	sadd.s32 s15, s2  }
0xa5: {  	[hbm4b:s2+s31] =	stream.strided.scatter [tilespmem:s28], [sflag:$0x7], $0x1000, s18, s31, $0x38;
	[tilespmem:$0x1CB00] =	vst v63  }
0xa6: {  	s29 =	simm.s32 $0x15B00;
	s2 =	sadd.s32 s15, s24  }
0xa7: {  	[hbm4b:s2+s31] =	stream.strided.scatter [tilespmem:s29], [sflag:$0x7], $0x1000, s18, s31, $0x38;
	[tilespmem:$0x1CB00] =	vst v63  }
0xa8: {  	_ =	swait.ge [sflag:s9], $0x2000  }
0xa9: {  	[sflag:s9] =	ssyncset.done $0x0  }
0xaa: {  	[sflag:s9] =	ssyncadd.s32 $0xFFFFE000  }
0xab: {  	_ =	swait.ge [sflag:s9], $0x1000  }
0xac: {  	[sflag:s9] =	ssyncset.done $0x0  }
0xad: {  	[sflag:s9] =	ssyncadd.s32 $0xFFFFF000  }
0xae: {  	_ =	swait.ge [sflag:s9], $0x1000  }
0xaf: {  	[sflag:s9] =	ssyncset.done $0x0  }
0xb0: {  	s21 =	sadd.s32 $0x300, s16;
	s23 =	simm.s32 $0x10B00;
	[sflag:s9] =	ssyncadd.s32 $0xFFFFF000  }
0xb1: {  	[tilespmem:s23], [sflag:$0x3] =	stream.indirect.gather [hbm4b:s4+s18], $0x80, s21, s18, $0xb8;
	[tilespmem:$0x1CB00] =	vst v63  }
0xb2: {  	s24 =	sadd.s32 $0x1C00, s16  }
0xb3: {  	[tilespmem:s28], [sflag:$0x3] =	stream.indirect.gather [hbm4b:s5+s18], $0x20, s24, s18, $0xb8;
	[tilespmem:$0x1CB00] =	vst v63  }
0xb4: {  	s21 =	sadd.s32 $0x3500, s16  }
0xb5: {  	[tilespmem:s29], [sflag:$0x3] =	stream.indirect.gather [hbm4b:s6+s18], $0x20, s21, s18, $0xb8;
	[tilespmem:$0x1CB00] =	vst v63  }
0xb6: {  	_ =	swait.ge [sflag:s10], $0x4000  }
0xb7: {  	[sflag:s10] =	ssyncset.done $0x0  }
0xb8: {  	[sflag:s10] =	ssyncadd.s32 $0xFFFFC000  }
0xb9: {  	_ =	swait.ge [sflag:s10], $0x1000  }
0xba: {  	[sflag:s10] =	ssyncset.done $0x0  }
0xbb: {  	[sflag:s10] =	ssyncadd.s32 $0xFFFFF000  }
0xbc: {  	s23 =	simm.s32 $0x14B00;
	_ =	swait.ge [sflag:s10], $0x1000  }
0xbd: {  	s24 =	simm.s32 $0x15B00;
	s28 =	simm.s32 $0x10;
	s21 =	rddreg [dreg:$0x1c]  }
0xbe: {  	s29 =	simm.s32 $0x16B80;
	[sflag:s10] =	ssyncset.done $0x0;
	s2 =	sadd.s32 s15, s21  }
0xbf: {  	[sflag:s10] =	ssyncadd.s32 $0xFFFFF000;
	s21 =	simm.s32 $0x16B00;
	s30 =	sadd.s32 $0x0, s2  }
.LBB2_9:
0xc0: {  	[hbm4b:s30+s3] =	stream.linear.scatter [tilespmem:s21], [sflag:$0x8], $0x40, $0x38;
	[tilespmem:$0x1CB00] =	vst v63  }
0xc1: {  	s30 =	smov.u32 s28;
	s21 =	smov.u32 s29;
	p0 =	sne.s32 s28, $0x7F0  }
.Ltmp3:
0xc2: {  	s28 =	sadd.s32 $0x10, s28;
	(pc) =	sbr.rel @p0 .LBB2_9-.Ltmp3, $2  }
0xc3: {  	_ =	sdelay $0x2  }
0xc4: {  	s29 =	sadd.s32 $0x80, s29;
	s30 =	sadd.s32 s30, s2  }
0xc5: {  	[hbm4b:s30+s3] =	stream.linear.scatter [tilespmem:s21], [sflag:$0x8], $0x40, $0x38;
	[tilespmem:$0x1CB00] =	vst v63  }
0xc6: {  	s2 =	rddreg [dreg:$0x1d]  }
0xc7: {  	s21 =	simm.s32 $0x1AB00;
	s30 =	rddreg [dreg:$0x1e];
	s2 =	sadd.s32 s15, s2  }
0xc8: {  	[hbm4b:s2+s31] =	stream.strided.scatter [tilespmem:s21], [sflag:$0x8], $0x1000, s18, s31, $0x38;
	[tilespmem:$0x1CB00] =	vst v63  }
0xc9: {  	s2 =	sadd.s32 s15, s30;
	s30 =	simm.s32 $0x1BB00  }
0xca: {  	[hbm4b:s2+s31] =	stream.strided.scatter [tilespmem:s30], [sflag:$0x8], $0x1000, s18, s31, $0x38;
	[tilespmem:$0x1CB00] =	vst v63  }
0xcb: {  	_ =	swait.ge [sflag:s11], $0x2000  }
0xcc: {  	[sflag:s11] =	ssyncset.done $0x0  }
0xcd: {  	[sflag:s11] =	ssyncadd.s32 $0xFFFFE000  }
0xce: {  	_ =	swait.ge [sflag:s11], $0x1000  }
0xcf: {  	[sflag:s11] =	ssyncset.done $0x0  }
0xd0: {  	[sflag:s11] =	ssyncadd.s32 $0xFFFFF000  }
0xd1: {  	s14 =	sadd.s32 $0x1, s14;
	_ =	swait.ge [sflag:s11], $0x1000  }
0xd2: {  	p0 =	sne.s32 s14, $0xB;
	[sflag:s11] =	ssyncset.done $0x0  }
0xd3: {  	s15 =	simm.s32 $0x16B00;
	s2 =	sadd.s32 $0x380, s16;
	[sflag:s11] =	ssyncadd.s32 $0xFFFFF000  }
0xd4: {  	[tilespmem:s15], [sflag:$0x4] =	stream.indirect.gather [hbm4b:s4+s18], $0x80, s2, s18, $0xb8;
	[tilespmem:$0x1CB00] =	vst v63  }
.Ltmp4:
0xd5: {  	_ = 	snop;
	(pc) =	sbr.rel @p0 .LBB2_2-.Ltmp4, $4  }
0xd6: {  	s15 =	sadd.s32 $0x1C80, s16  }
0xd7: {  	[tilespmem:s21], [sflag:$0x4] =	stream.indirect.gather [hbm4b:s5+s18], $0x20, s15, s18, $0xb8;
	[tilespmem:$0x1CB00] =	vst v63  }
0xd8: {  	s28 =	simm.s32 $0x1AB00;
	s29 =	simm.s32 $0x1BB00;
	s21 =	sadd.s32 $0x3580, s16  }
0xd9: {  	[tilespmem:s30], [sflag:$0x4] =	stream.indirect.gather [hbm4b:s6+s18], $0x20, s21, s18, $0xb8;
	[tilespmem:$0x1CB00] =	vst v63  }
0xda: {  	_ =	swait.ge [sflag:s22], $0x4000  }
0xdb: {  	[sflag:s22] =	ssyncset.done $0x0  }
0xdc: {  	[sflag:s22] =	ssyncadd.s32 $0xFFFFC000  }
0xdd: {  	_ =	swait.ge [sflag:s22], $0x1000  }
0xde: {  	[sflag:s22] =	ssyncset.done $0x0  }
0xdf: {  	[sflag:s22] =	ssyncadd.s32 $0xFFFFF000  }
0xe0: {  	_ =	swait.ge [sflag:s22], $0x1000  }
0xe1: {  	s2 =	simm.s32 $0x4B00;
	s14 =	simm.s32 $0x10;
	[sflag:s22] =	ssyncset.done $0x0  }
0xe2: {  	s16 =	sadd.s32 $0x0, s12;
	s15 =	simm.s32 $0x4B80;
	[sflag:s22] =	ssyncadd.s32 $0xFFFFF000  }
.LBB2_12:
0xe3: {  	[hbm4b:s16+s3] =	stream.linear.scatter [tilespmem:s2], [sflag:$0x5], $0x40, $0x38;
	[tilespmem:$0x1CB00] =	vst v63  }
0xe4: {  	s16 =	smov.u32 s14;
	s2 =	smov.u32 s15;
	p0 =	sne.s32 s14, $0x7F0  }
.Ltmp5:
0xe5: {  	s14 =	sadd.s32 $0x10, s14;
	(pc) =	sbr.rel @p0 .LBB2_12-.Ltmp5, $2  }
0xe6: {  	_ =	sdelay $0x2  }
0xe7: {  	s15 =	sadd.s32 $0x80, s15;
	s16 =	sadd.s32 s16, s12  }
0xe8: {  	[hbm4b:s16+s3] =	stream.linear.scatter [tilespmem:s2], [sflag:$0x5], $0x40, $0x38;
	[tilespmem:$0x1CB00] =	vst v63  }
0xe9: {  	s16 =	rddreg [dreg:$0x6];
	s14 =	simm.s32 $0x8B00  }
0xea: {  	[hbm4b:s16+s31] =	stream.strided.scatter [tilespmem:s14], [sflag:$0x5], $0x1000, s18, s31, $0x38;
	[tilespmem:$0x1CB00] =	vst v63  }
0xeb: {  	s21 =	rddreg [dreg:$0x7];
	s15 =	simm.s32 $0x9B00  }
0xec: {  	[hbm4b:s21+s31] =	stream.strided.scatter [tilespmem:s15], [sflag:$0x5], $0x1000, s18, s31, $0x38;
	[tilespmem:$0x1CB00] =	vst v63  }
0xed: {  	_ =	swait.ge [sflag:s0], $0x2000  }
0xee: {  	[sflag:s0] =	ssyncset.done $0x0  }
0xef: {  	[sflag:s0] =	ssyncadd.s32 $0xFFFFE000  }
0xf0: {  	_ =	swait.ge [sflag:s0], $0x1000  }
0xf1: {  	[sflag:s0] =	ssyncset.done $0x0  }
0xf2: {  	[sflag:s0] =	ssyncadd.s32 $0xFFFFF000  }
0xf3: {  	_ =	swait.ge [sflag:s0], $0x1000  }
0xf4: {  	[sflag:s0] =	ssyncset.done $0x0  }
0xf5: {  	s16 =	simm.s32 $0x4B00;
	s21 =	simm.s32 $0x1800;
	[sflag:s0] =	ssyncadd.s32 $0xFFFFF000  }
0xf6: {  	[tilespmem:s16], [sflag:$0x1] =	stream.indirect.gather [hbm4b:s4+s18], $0x80, s21, s18, $0xb8;
	[tilespmem:$0x1CB00] =	vst v63  }
0xf7: {  	s16 =	simm.s32 $0x3100  }
0xf8: {  	[tilespmem:s14], [sflag:$0x1] =	stream.indirect.gather [hbm4b:s5+s18], $0x20, s16, s18, $0xb8;
	[tilespmem:$0x1CB00] =	vst v63  }
0xf9: {  	s21 =	simm.s32 $0x4A00  }
0xfa: {  	[tilespmem:s15], [sflag:$0x1] =	stream.indirect.gather [hbm4b:s6+s18], $0x20, s21, s18, $0xb8;
	[tilespmem:$0x1CB00] =	vst v63  }
0xfb: {  	_ =	swait.ge [sflag:s1], $0x4000  }
0xfc: {  	[sflag:s1] =	ssyncset.done $0x0  }
0xfd: {  	[sflag:s1] =	ssyncadd.s32 $0xFFFFC000  }
0xfe: {  	_ =	swait.ge [sflag:s1], $0x1000  }
0xff: {  	[sflag:s1] =	ssyncset.done $0x0  }
0x100: {  	[sflag:s1] =	ssyncadd.s32 $0xFFFFF000  }
0x101: {  	s2 =	simm.s32 $0xAB00;
	_ =	swait.ge [sflag:s1], $0x1000  }
0x102: {  	s30 =	simm.s32 $0xEB00;
	s14 =	simm.s32 $0x10;
	[sflag:s1] =	ssyncset.done $0x0  }
0x103: {  	s16 =	sadd.s32 $0x0, s13;
	s15 =	simm.s32 $0xAB80;
	[sflag:s1] =	ssyncadd.s32 $0xFFFFF000  }
.LBB2_14:
0x104: {  	[hbm4b:s16+s3] =	stream.linear.scatter [tilespmem:s2], [sflag:$0x6], $0x40, $0x38;
	[tilespmem:$0x1CB00] =	vst v63  }
0x105: {  	s16 =	smov.u32 s14;
	s2 =	smov.u32 s15;
	p0 =	sne.s32 s14, $0x7F0  }
.Ltmp6:
0x106: {  	s14 =	sadd.s32 $0x10, s14;
	(pc) =	sbr.rel @p0 .LBB2_14-.Ltmp6, $2  }
0x107: {  	_ =	sdelay $0x2  }
0x108: {  	s15 =	sadd.s32 $0x80, s15;
	s16 =	sadd.s32 s16, s13  }
0x109: {  	[hbm4b:s16+s3] =	stream.linear.scatter [tilespmem:s2], [sflag:$0x6], $0x40, $0x38;
	[tilespmem:$0x1CB00] =	vst v63  }
0x10a: {  	s21 =	rddreg [dreg:$0x8]  }
0x10b: {  	[hbm4b:s21+s31] =	stream.strided.scatter [tilespmem:s30], [sflag:$0x6], $0x1000, s18, s31, $0x38;
	[tilespmem:$0x1CB00] =	vst v63  }
0x10c: {  	s14 =	rddreg [dreg:$0x9]  }
0x10d: {  	[hbm4b:s14+s31] =	stream.strided.scatter [tilespmem:s20], [sflag:$0x6], $0x1000, s18, s31, $0x38;
	[tilespmem:$0x1CB00] =	vst v63  }
0x10e: {  	_ =	swait.ge [sflag:s7], $0x2000  }
0x10f: {  	[sflag:s7] =	ssyncset.done $0x0  }
0x110: {  	[sflag:s7] =	ssyncadd.s32 $0xFFFFE000  }
0x111: {  	_ =	swait.ge [sflag:s7], $0x1000  }
0x112: {  	[sflag:s7] =	ssyncset.done $0x0  }
0x113: {  	[sflag:s7] =	ssyncadd.s32 $0xFFFFF000  }
0x114: {  	_ =	swait.ge [sflag:s7], $0x1000  }
0x115: {  	[sflag:s7] =	ssyncset.done $0x0  }
0x116: {  	s15 =	simm.s32 $0xAB00;
	s14 =	simm.s32 $0x1880;
	[sflag:s7] =	ssyncadd.s32 $0xFFFFF000  }
0x117: {  	[tilespmem:s15], [sflag:$0x2] =	stream.indirect.gather [hbm4b:s4+s18], $0x80, s14, s18, $0xb8;
	[tilespmem:$0x1CB00] =	vst v63  }
0x118: {  	s16 =	simm.s32 $0x3180  }
0x119: {  	[tilespmem:s30], [sflag:$0x2] =	stream.indirect.gather [hbm4b:s5+s18], $0x20, s16, s18, $0xb8;
	[tilespmem:$0x1CB00] =	vst v63  }
0x11a: {  	s21 =	simm.s32 $0x4A80  }
0x11b: {  	[tilespmem:s20], [sflag:$0x2] =	stream.indirect.gather [hbm4b:s6+s18], $0x20, s21, s18, $0xb8;
	[tilespmem:$0x1CB00] =	vst v63  }
0x11c: {  	_ =	swait.ge [sflag:s8], $0x4000  }
0x11d: {  	[sflag:s8] =	ssyncset.done $0x0  }
0x11e: {  	[sflag:s8] =	ssyncadd.s32 $0xFFFFC000  }
0x11f: {  	_ =	swait.ge [sflag:s8], $0x1000  }
0x120: {  	[sflag:s8] =	ssyncset.done $0x0  }
0x121: {  	[sflag:s8] =	ssyncadd.s32 $0xFFFFF000  }
0x122: {  	_ =	swait.ge [sflag:s8], $0x1000  }
0x123: {  	s2 =	simm.s32 $0x10B00;
	s14 =	simm.s32 $0x10;
	[sflag:s8] =	ssyncset.done $0x0  }
0x124: {  	s15 =	simm.s32 $0x10B80;
	s16 =	sadd.s32 $0x0, s17;
	[sflag:s8] =	ssyncadd.s32 $0xFFFFF000  }
.LBB2_16:
0x125: {  	[hbm4b:s16+s3] =	stream.linear.scatter [tilespmem:s2], [sflag:$0x7], $0x40, $0x38;
	[tilespmem:$0x1CB00] =	vst v63  }
0x126: {  	s16 =	smov.u32 s14;
	s2 =	smov.u32 s15;
	p0 =	sne.s32 s14, $0x7F0  }
.Ltmp7:
0x127: {  	s14 =	sadd.s32 $0x10, s14;
	(pc) =	sbr.rel @p0 .LBB2_16-.Ltmp7, $2  }
0x128: {  	_ =	sdelay $0x2  }
0x129: {  	s15 =	sadd.s32 $0x80, s15;
	s16 =	sadd.s32 s16, s17  }
0x12a: {  	[hbm4b:s16+s3] =	stream.linear.scatter [tilespmem:s2], [sflag:$0x7], $0x40, $0x38;
	[tilespmem:$0x1CB00] =	vst v63  }
0x12b: {  	s16 =	rddreg [dreg:$0xa]  }
0x12c: {  	[hbm4b:s16+s31] =	stream.strided.scatter [tilespmem:s23], [sflag:$0x7], $0x1000, s18, s31, $0x38;
	[tilespmem:$0x1CB00] =	vst v63  }
0x12d: {  	s21 =	rddreg [dreg:$0xb]  }
0x12e: {  	[hbm4b:s21+s31] =	stream.strided.scatter [tilespmem:s24], [sflag:$0x7], $0x1000, s18, s31, $0x38;
	[tilespmem:$0x1CB00] =	vst v63  }
0x12f: {  	_ =	swait.ge [sflag:s9], $0x2000  }
0x130: {  	[sflag:s9] =	ssyncset.done $0x0  }
0x131: {  	[sflag:s9] =	ssyncadd.s32 $0xFFFFE000  }
0x132: {  	_ =	swait.ge [sflag:s9], $0x1000  }
0x133: {  	[sflag:s9] =	ssyncset.done $0x0  }
0x134: {  	[sflag:s9] =	ssyncadd.s32 $0xFFFFF000  }
0x135: {  	_ =	swait.ge [sflag:s9], $0x1000  }
0x136: {  	[sflag:s9] =	ssyncset.done $0x0  }
0x137: {  	[sflag:s9] =	ssyncadd.s32 $0xFFFFF000  }
0x138: {  	_ =	swait.ge [sflag:s10], $0x4000  }
0x139: {  	[sflag:s10] =	ssyncset.done $0x0  }
0x13a: {  	[sflag:s10] =	ssyncadd.s32 $0xFFFFC000  }
0x13b: {  	_ =	swait.ge [sflag:s10], $0x1000  }
0x13c: {  	[sflag:s10] =	ssyncset.done $0x0  }
0x13d: {  	[sflag:s10] =	ssyncadd.s32 $0xFFFFF000  }
0x13e: {  	_ =	swait.ge [sflag:s10], $0x1000  }
0x13f: {  	s2 =	simm.s32 $0x16B00;
	s14 =	simm.s32 $0x10;
	[sflag:s10] =	ssyncset.done $0x0  }
0x140: {  	s15 =	simm.s32 $0x16B80;
	s16 =	sadd.s32 $0x0, s19;
	[sflag:s10] =	ssyncadd.s32 $0xFFFFF000  }
.LBB2_18:
0x141: {  	[hbm4b:s16+s3] =	stream.linear.scatter [tilespmem:s2], [sflag:$0x8], $0x40, $0x38;
	[tilespmem:$0x1CB00] =	vst v63  }
0x142: {  	s16 =	smov.u32 s14;
	s2 =	smov.u32 s15;
	p0 =	sne.s32 s14, $0x7F0  }
.Ltmp8:
0x143: {  	s14 =	sadd.s32 $0x10, s14;
	(pc) =	sbr.rel @p0 .LBB2_18-.Ltmp8, $2  }
0x144: {  	_ =	sdelay $0x2  }
0x145: {  	s15 =	sadd.s32 $0x80, s15;
	s16 =	sadd.s32 s16, s19  }
0x146: {  	[hbm4b:s16+s3] =	stream.linear.scatter [tilespmem:s2], [sflag:$0x8], $0x40, $0x38;
	[tilespmem:$0x1CB00] =	vst v63  }
0x147: {  	s16 =	rddreg [dreg:$0xc]  }
0x148: {  	[hbm4b:s16+s31] =	stream.strided.scatter [tilespmem:s28], [sflag:$0x8], $0x1000, s18, s31, $0x38;
	[tilespmem:$0x1CB00] =	vst v63  }
0x149: {  	s21 =	rddreg [dreg:$0xd]  }
0x14a: {  	[hbm4b:s21+s31] =	stream.strided.scatter [tilespmem:s29], [sflag:$0x8], $0x1000, s18, s31, $0x38;
	[tilespmem:$0x1CB00] =	vst v63  }
0x14b: {  	_ =	swait.ge [sflag:s11], $0x2000  }
0x14c: {  	[sflag:s11] =	ssyncset.done $0x0  }
0x14d: {  	[sflag:s11] =	ssyncadd.s32 $0xFFFFE000  }
0x14e: {  	_ =	swait.ge [sflag:s11], $0x1000  }
0x14f: {  	[sflag:s11] =	ssyncset.done $0x0  }
0x150: {  	[sflag:s11] =	ssyncadd.s32 $0xFFFFF000  }
0x151: {  	_ =	swait.ge [sflag:s11], $0x1000  }
0x152: {  	[sflag:s11] =	ssyncset.done $0x0  }
0x153: {  	[sflag:s11] =	ssyncadd.s32 $0xFFFFF000  }
0x154: {  	_ =	swait.ge [sflag:s22], $0x4000  }
0x155: {  	[sflag:s22] =	ssyncset.done $0x0  }
0x156: {  	[sflag:s22] =	ssyncadd.s32 $0xFFFFC000  }
0x157: {  	_ =	swait.ge [sflag:s22], $0x1000  }
0x158: {  	[sflag:s22] =	ssyncset.done $0x0  }
0x159: {  	[sflag:s22] =	ssyncadd.s32 $0xFFFFF000  }
0x15a: {  	_ =	swait.ge [sflag:s22], $0x1000  }
0x15b: {  	s2 =	simm.s32 $0x4B00;
	s14 =	simm.s32 $0x10;
	[sflag:s22] =	ssyncset.done $0x0  }
0x15c: {  	s15 =	simm.s32 $0x4B80;
	s16 =	sadd.s32 $0x0, s25;
	[sflag:s22] =	ssyncadd.s32 $0xFFFFF000  }
.LBB2_20:
0x15d: {  	[hbm4b:s16+s3] =	stream.linear.scatter [tilespmem:s2], [sflag:$0x5], $0x40, $0x38;
	[tilespmem:$0x1CB00] =	vst v63  }
0x15e: {  	s16 =	smov.u32 s14;
	s2 =	smov.u32 s15;
	p0 =	sne.s32 s14, $0x7F0  }
.Ltmp9:
0x15f: {  	s14 =	sadd.s32 $0x10, s14;
	(pc) =	sbr.rel @p0 .LBB2_20-.Ltmp9, $2  }
0x160: {  	_ =	sdelay $0x2  }
0x161: {  	s15 =	sadd.s32 $0x80, s15;
	s16 =	sadd.s32 s16, s25  }
0x162: {  	[hbm4b:s16+s3] =	stream.linear.scatter [tilespmem:s2], [sflag:$0x5], $0x40, $0x38;
	[tilespmem:$0x1CB00] =	vst v63  }
0x163: {  	s15 =	rddreg [dreg:$0xf];
	s14 =	simm.s32 $0x8B00  }
0x164: {  	[hbm4b:s15+s31] =	stream.strided.scatter [tilespmem:s14], [sflag:$0x5], $0x1000, s18, s31, $0x38;
	[tilespmem:$0x1CB00] =	vst v63  }
0x165: {  	s16 =	rddreg [dreg:$0x10];
	s21 =	simm.s32 $0x9B00  }
0x166: {  	[hbm4b:s16+s31] =	stream.strided.scatter [tilespmem:s21], [sflag:$0x5], $0x1000, s18, s31, $0x38;
	[tilespmem:$0x1CB00] =	vst v63  }
0x167: {  	_ =	swait.ge [sflag:s0], $0x2000  }
0x168: {  	[sflag:s0] =	ssyncset.done $0x0  }
0x169: {  	[sflag:s0] =	ssyncadd.s32 $0xFFFFE000  }
0x16a: {  	_ =	swait.ge [sflag:s0], $0x1000  }
0x16b: {  	[sflag:s0] =	ssyncset.done $0x0  }
0x16c: {  	[sflag:s0] =	ssyncadd.s32 $0xFFFFF000  }
0x16d: {  	_ =	swait.ge [sflag:s0], $0x1000  }
0x16e: {  	[sflag:s0] =	ssyncset.done $0x0  }
0x16f: {  	[sflag:s0] =	ssyncadd.s32 $0xFFFFF000  }
0x170: {  	_ =	swait.ge [sflag:s1], $0x4000  }
0x171: {  	[sflag:s1] =	ssyncset.done $0x0  }
0x172: {  	[sflag:s1] =	ssyncadd.s32 $0xFFFFC000  }
0x173: {  	_ =	swait.ge [sflag:s1], $0x1000  }
0x174: {  	[sflag:s1] =	ssyncset.done $0x0  }
0x175: {  	[sflag:s1] =	ssyncadd.s32 $0xFFFFF000  }
0x176: {  	_ =	swait.ge [sflag:s1], $0x1000  }
0x177: {  	s2 =	simm.s32 $0xAB00;
	s14 =	simm.s32 $0x10;
	[sflag:s1] =	ssyncset.done $0x0  }
0x178: {  	s15 =	simm.s32 $0xAB80;
	s16 =	sadd.s32 $0x0, s26;
	[sflag:s1] =	ssyncadd.s32 $0xFFFFF000  }
.LBB2_22:
0x179: {  	[hbm4b:s16+s3] =	stream.linear.scatter [tilespmem:s2], [sflag:$0x6], $0x40, $0x38;
	[tilespmem:$0x1CB00] =	vst v63  }
0x17a: {  	s16 =	smov.u32 s14;
	s2 =	smov.u32 s15;
	p0 =	sne.s32 s14, $0x7F0  }
.Ltmp10:
0x17b: {  	s14 =	sadd.s32 $0x10, s14;
	(pc) =	sbr.rel @p0 .LBB2_22-.Ltmp10, $2  }
0x17c: {  	_ =	sdelay $0x2  }
0x17d: {  	s15 =	sadd.s32 $0x80, s15;
	s16 =	sadd.s32 s16, s26  }
0x17e: {  	[hbm4b:s16+s3] =	stream.linear.scatter [tilespmem:s2], [sflag:$0x6], $0x40, $0x38;
	[tilespmem:$0x1CB00] =	vst v63  }
0x17f: {  	s15 =	rddreg [dreg:$0x11]  }
0x180: {  	[hbm4b:s15+s31] =	stream.strided.scatter [tilespmem:s30], [sflag:$0x6], $0x1000, s18, s31, $0x38;
	[tilespmem:$0x1CB00] =	vst v63  }
0x181: {  	s16 =	rddreg [dreg:$0x12]  }
0x182: {  	[hbm4b:s16+s31] =	stream.strided.scatter [tilespmem:s20], [sflag:$0x6], $0x1000, s18, s31, $0x38;
	[tilespmem:$0x1CB00] =	vst v63  }
0x183: {  	_ =	swait.ge [sflag:s7], $0x2000  }
0x184: {  	[sflag:s7] =	ssyncset.done $0x0  }
0x185: {  	[sflag:s7] =	ssyncadd.s32 $0xFFFFE000  }
0x186: {  	_ =	swait.ge [sflag:s7], $0x1000  }
0x187: {  	[sflag:s7] =	ssyncset.done $0x0  }
0x188: {  	[sflag:s7] =	ssyncadd.s32 $0xFFFFF000  }
0x189: {  	_ =	swait.ge [sflag:s7], $0x1000  }
0x18a: {  	s14 =	rddreg [dreg:$0x1f]  }
0x18b: {  	s21 =	rddreg [dreg:$0x13];
	s14 =	sadd.s32 $0x1, s14  }
0x18c: {  	p0 =	sne.s32 s14, s21  }
.Ltmp11:
0x18d: {  	_ = 	snop;
	(pc) =	sbr.rel @p0 .LBB2_1-.Ltmp11, $3  }
0x18e: {  	_ =	sdelay $0x1  }
0x18f: {  	[sflag:s7] =	ssyncset.done $0x0  }
0x190: {  	[sflag:s7] =	ssyncadd.s32 $0xFFFFF000  }
0x191: {  	_ =	sfence.sel $0x180000  }
0x192: {  	[bflag:$0x0] =	sbarrier.arrive $0xFFFF  }
0x193: {  	_ =	strace $0x90000047  }
0x194: {  	s0 =	stileid.u32;
	[bflag:$0x2] =	sbarrier.arrive $0xFFFF  }
0x195: {  	p0 =	sne.s32 s0, $0x0;
	s0 =	rddreg [dreg:$0x2]  }
0x196: {  	s0 =	sadd.s32 @!p0 $0x100000, s0  }
0x197: {  	[sflag:s0] =	ssyncadd.tile.s32 @!p0 $0x1;
	_ =	shalt  }
.Lfunc_end2:
_tile_overlayer_lowered:
.L_overlay_start_2:
0x198: {  	(tag) =	ssettag $0x2  }
0x199: {  	s0 =	rddreg [dreg:$0x0];
	s2 =	stileid.u32  }
0x19a: {  	s1 =	rddreg [dreg:$0x1];
	p0 =	sne.s32 s2, $0x0  }
0x19b: {  	s3 =	rddreg [dreg:$0x2];
	[bflag:$0x3] =	sbarrier.arrive $0xFFFF;
	s2 =	simm.s32 @!p0 $0x1C09  }
0x19c: {  	[timem:s3], [sflag:s2] =	dma.local @!p0 [hbm:s0], s1  }
0x19d: {  	s0 =	simm.s32 @!p0 $0x9  }
0x19e: {  	_ =	swait.ge @!p0 [sflag:s0], s1  }
0x19f: {  	s1 =	ssub.s32 @!p0 $0x0, s1;
	[sflag:s0] =	ssyncset.done @!p0 $0x0  }
0x1a0: {  	[sflag:s0] =	ssyncadd.s32 @!p0 s1  }
0x1a1: {  	[bflag:$0x3] =	sbarrier.arrive $0xFFFF  }
0x1a2: {  	_ =	shalt  }

</sc_bundles>
